<compile_context>
chip_gen: v7x
topology: tpu7x:2x2x1
jax: 0.10.2.dev20260603
libtpu: 0.0.44.dev20260713+nightly
codegen_flags: <defaults>
</compile_context>

<pallas_src>
import functools

import jax
import jax.numpy as jnp
from jax import lax
from jax.experimental import pallas as pl
from jax.experimental.pallas import tpu as pltpu
from jax.experimental.pallas import tpu_sc as plsc

_MIN_D, _MAX_D, _ND = 0.25, 10.0, 64
_INV = float((_ND - 1) / (_MAX_D - _MIN_D))
_C2 = -_MIN_D * _INV
_W = 352
_ACC = 4 * 44 * _ND
_IMG_OUT = 924 * _ND
_P16_OFF = 704 * _ND
_P32_OFF = 880 * _ND


def _sc_body(depth_hbm, out_hbm, depth_v, acc_v, p16_v, p32_v, sem_a):
    wid = lax.axis_index("s") * 2 + lax.axis_index("c")

    @pl.when(wid < 24)
    def _():
        b = wid >> 2
        g = wid & 3

        cp_d = pltpu.async_copy(
            depth_hbm.at[0, b, 0, pl.ds(g * 32, 32), :], depth_v, sem_a
        )

        zero16 = jnp.zeros((16,), jnp.float32)

        def zbody(z, carry):
            base = z * 256
            for u in range(16):
                acc_v[pl.ds(base + u * 16, 16)] = zero16
            return carry

        lax.fori_loop(0, _ACC // 256, zbody, None)

        lane = lax.iota(jnp.int32, 16)
        vco = (lane >> 3) << 6

        cp_d.wait()

        def rbody(r, carry):
            rowbase = (r >> 3) * 2816
            for g0, gn in ((0, 11), (11, 11)):
                ds = [depth_v[r, pl.ds((g0 + j) * 16, 16)]
                      for j in range(gn)]
                ts = [jnp.minimum(jnp.maximum(d * _INV + _C2, 0.0), 63.0)
                      for d in ds]
                los = [jnp.minimum(t, 62.5).astype(jnp.int32) for t in ts]
                fracs = [t - lo.astype(jnp.float32)
                         for t, lo in zip(ts, los)]
                whis = [f * (1.0 / 64.0) for f in fracs]
                wlos = [(1.0 / 64.0) - w for w in whis]
                idxs = [vco + lo for lo in los]
                for j in range(gn):
                    win = acc_v.at[pl.ds(rowbase + (g0 + j) * 128, 128)]
                    plsc.addupdate_scatter(win, [idxs[j]], wlos[j])
                    plsc.addupdate_scatter(win, [idxs[j] + 1], whis[j])
            return carry

        lax.fori_loop(0, 32, rbody, None)

        out_base = b * _IMG_OUT
        pltpu.sync_copy(acc_v, out_hbm.at[pl.ds(out_base + g * _ACC, _ACC)])

        def c2body(c2, carry):
            coff = c2 * 128
            chains = []
            for lr2 in range(2):
                o00 = (2 * lr2) * 44 * 64
                o10 = (2 * lr2 + 1) * 44 * 64
                for kc in range(4):
                    k = kc * 16
                    chains.append((lr2, k, o00 + coff + k, o10 + coff + k))
            lds = [(acc_v[pl.ds(oa, 16)], acc_v[pl.ds(oa + 64, 16)],
                    acc_v[pl.ds(ob, 16)], acc_v[pl.ds(ob + 64, 16)])
                   for (_, _, oa, ob) in chains]
            s1 = [a + bb for (a, bb, _, _) in lds]
            s2 = [c + dd for (_, _, c, dd) in lds]
            s3 = [a + bb for a, bb in zip(s1, s2)]
            res = [s * 0.25 for s in s3]
            for (lr2, k, _, _), v in zip(chains, res):
                p16_v[pl.ds(lr2 * 1408 + c2 * 64 + k, 16)] = v
            return carry

        lax.fori_loop(0, 22, c2body, None)
        pltpu.sync_copy(
            p16_v, out_hbm.at[pl.ds(out_base + _P16_OFF + g * 2816, 2816)]
        )

        def c4body(c4, carry):
            coff = c4 * 128
            ks = [kc * 16 for kc in range(4)]
            lds = [(p16_v[pl.ds(coff + k, 16)],
                    p16_v[pl.ds(coff + 64 + k, 16)],
                    p16_v[pl.ds(1408 + coff + k, 16)],
                    p16_v[pl.ds(1408 + coff + 64 + k, 16)]) for k in ks]
            s1 = [a + bb for (a, bb, _, _) in lds]
            s2 = [c + dd for (_, _, c, dd) in lds]
            s3 = [a + bb for a, bb in zip(s1, s2)]
            res = [s * 0.25 for s in s3]
            for k, v in zip(ks, res):
                p32_v[pl.ds(c4 * 64 + k, 16)] = v
            return carry

        lax.fori_loop(0, 11, c4body, None)
        pltpu.sync_copy(
            p32_v, out_hbm.at[pl.ds(out_base + _P32_OFF + g * 704, 704)]
        )


@functools.cache
def _sc_call():
    return functools.partial(
        pl.kernel,
        out_type=jax.ShapeDtypeStruct((6 * _IMG_OUT,), jnp.float32),
        mesh=plsc.VectorSubcoreMesh(core_axis_name="c", subcore_axis_name="s"),
        compiler_params=pltpu.CompilerParams(needs_layout_passes=False),
        scratch_types=[
            pltpu.VMEM((32, _W), jnp.float32),
            pltpu.VMEM((_ACC,), jnp.float32),
            pltpu.VMEM((2816,), jnp.float32),
            pltpu.VMEM((704,), jnp.float32),
            pltpu.SemaphoreType.DMA,
        ],
    )(_sc_body)


def kernel(depths):
    out = _sc_call()(depths)
    return out.reshape(1, 6, 924, _ND)

# --- scband reference (transcript-rebuilt; emitter-appended) ---
"""Pipeline reference for scband-batch-depth-prob-gtgenerator-68607807586924 (READ-ONLY COPY).

The authoritative reference and input builder live on the scoring server;
editing this copy changes nothing except your own understanding.
"""

import jax, jax.numpy as jnp
import numpy as np

BS, NV, H, W = 1, 6, 128, 352
MIN_D, MAX_D, ND = 0.25, 10.0, 64
STRIDES = [8, 16, 32]


def _avg_pool2d(x, s):
    b, c, h, w = x.shape
    return x.reshape(b, c, h // s, s, w // s, s).mean(axis=(3, 5))


def setup_inputs(seed: int = 0) -> dict:
    key = jax.random.key(seed)
    # depths in [0, 12): covers the full [min_depth, max_depth] anchor range,
    # including values that clip at both ends (realistic lidar depth maps).
    depths = jax.random.uniform(key, (BS, NV, 1, H, W), dtype=jnp.float32) * 12.0
    return {"depths": depths}


def reference(depths):
    bs, num_view, _, h, w = depths.shape
    depth = depths.reshape(bs * num_view, 1, h, w)
    depth = jnp.clip(depth, MIN_D, MAX_D)
    anchor = jnp.linspace(MIN_D, MAX_D, ND, dtype=depth.dtype)[None, :, None, None]
    distance = depth - anchor  # [B, ND, h, w] via broadcast
    depth_anchor = jnp.broadcast_to(anchor, distance.shape)
    # torch .min(dim=1)[1] returns the first minimal index; argmin matches.
    idx_a = jnp.argmin(jnp.abs(distance), axis=1)[:, None]  # [B,1,h,w]
    depth_a = jnp.take_along_axis(depth_anchor, idx_a, axis=1)
    idx_b = jnp.where(depth_a < depth, idx_a + 1, idx_a - 1)
    idx_b = jnp.clip(idx_b, 0, ND - 1)
    depth_b = jnp.take_along_axis(depth_anchor, idx_b, axis=1)
    bins = jnp.arange(ND)[None, :, None, None]
    # emulate sequential torch scatter_ (overwrite semantics: b wins on overlap)
    sparse = jnp.where(bins == idx_a, jnp.abs(depth_a), jnp.zeros_like(distance))
    sparse = jnp.where(bins == idx_b, jnp.abs(depth_b), sparse)
    sparse_inv = sparse.sum(axis=1, keepdims=True) - sparse
    denom = jnp.where(sparse != 0, sparse - sparse_inv, jnp.ones_like(sparse))
    depth_prob = jnp.where(sparse != 0, (depth - sparse_inv) / denom, 0.0)
    outs = []
    for s in STRIDES:
        tmp = _avg_pool2d(depth_prob, s)
        outs.append(tmp.reshape(bs * num_view, ND, -1))
    out = jnp.concatenate(outs, axis=2).transpose(0, 2, 1)
    out = jnp.clip(out, 0.0, 1.0)
    return out.reshape(bs, num_view, -1, ND)

if __name__ == "__main__":
    import jax
    _d = setup_inputs()
    print(jax.jit(kernel)(*tuple(_d.values())))

</pallas_src>

<mosaic_0001>
#map = affine_map<(d0, d1) -> (0, 0, 0, 0, 0)>
#map1 = affine_map<(d0, d1) -> (0)>
module attributes {stable_mosaic.version = 14 : i64} {
  func.func @_sc_body(%arg0: i32, %arg1: i32, %arg2: memref<1x6x1x128x352xf32, #tpu.memory_space<hbm>>, %arg3: memref<354816xf32, #tpu.memory_space<hbm>>, %arg4: memref<32x352xf32, #tpu.memory_space<vmem>>, %arg5: memref<11264xf32, #tpu.memory_space<vmem>>, %arg6: memref<2816xf32, #tpu.memory_space<vmem>>, %arg7: memref<704xf32, #tpu.memory_space<vmem>>, %arg8: memref<!tpu.dma_semaphore, #tpu.memory_space<semaphore_mem>>) attributes {dimension_semantics = [#tpu.dimension_semantics<core_parallel>, #tpu.dimension_semantics<subcore_parallel>], iteration_bounds = array<i64: 2, 16>, scalar_prefetch = 0 : i64, scratch_operands = 5 : i64, tpu.core_type = #tpu.core_type<sc_vector_subcore>, window_params = [{transform_indices = #map}, {transform_indices = #map1}]} {
    %mul3A = arith.constant 2 : i32
    %mul3A_0 = arith.muli %arg1, %mul3A : i32
    %add3A = arith.addi %mul3A_0, %arg0 : i32
    %lt3A = arith.constant 24 : i32
    %lt3A_1 = arith.cmpi slt, %add3A, %lt3A : i32
    %convert_element_type3A = arith.extui %lt3A_1 : i1 to i32
    %cond3A = arith.constant 0 : i32
    %cond3A_2 = arith.cmpi ne, %convert_element_type3A, %cond3A : i32
    scf.if %cond3A_2 {
      %shift_right_arithmetic3A = arith.constant 2 : i32
      %shift_right_arithmetic3A_3 = arith.shrsi %add3A, %shift_right_arithmetic3A : i32
      %and3A = arith.constant 3 : i32
      %and3A_4 = arith.andi %add3A, %and3A : i32
      %mul3A_5 = arith.constant 32 : i32
      %mul3A_6 = arith.muli %and3A_4, %mul3A_5 : i32
      %dma_start3A = arith.constant 0 : i32
      %dma_start3A_7 = arith.constant 0 : i32
      %dma_start3A_8 = arith.constant 0 : i32
      %dma_start3A_9 = tpu.memref_slice %arg2[%dma_start3A, %shift_right_arithmetic3A_3, %dma_start3A_7, %mul3A_6, %dma_start3A_8] : memref<1x6x1x128x352xf32, #tpu.memory_space<hbm>> -> memref<1x1x1x32x352xf32, #tpu.memory_space<hbm>>
      %dma_start3A_10 = tpu.memref_squeeze %dma_start3A_9 : memref<1x1x1x32x352xf32, #tpu.memory_space<hbm>> -> memref<32x352xf32, #tpu.memory_space<hbm>>
      %dma_start3A_11 = arith.constant 0 : i32
      %dma_start3A_12 = tpu.memref_slice %arg2[%dma_start3A, %shift_right_arithmetic3A_3, %dma_start3A_7, %mul3A_6, %dma_start3A_11] : memref<1x6x1x128x352xf32, #tpu.memory_space<hbm>> -> memref<1x1x1x32x352xf32, #tpu.memory_space<hbm>>
      %dma_start3A_13 = tpu.memref_squeeze %dma_start3A_12 : memref<1x1x1x32x352xf32, #tpu.memory_space<hbm>> -> memref<32x352xf32, #tpu.memory_space<hbm>>
      tpu.enqueue_dma source(%dma_start3A_13 : memref<32x352xf32, #tpu.memory_space<hbm>>) target(%arg4 : memref<32x352xf32, #tpu.memory_space<vmem>>) target_semaphore(%arg8 : memref<!tpu.dma_semaphore, #tpu.memory_space<semaphore_mem>>)
      %broadcast_in_dim3A = arith.constant 0.000000e+00 : f32
      %broadcast_in_dim3A_14 = vector.broadcast %broadcast_in_dim3A : f32 to vector<16xf32>
      %scan3A = arith.constant 0 : i32
      %scan3A_15 = arith.constant 44 : i32
      %scan3A_16 = arith.addi %scan3A, %scan3A_15 : i32
      %scan3A_17 = arith.constant 1 : i32
      scf.for %scan3A_61 = %scan3A to %scan3A_16 step %scan3A_17  : i32 {
        %mul3A_62 = arith.constant 256 : i32
        %mul3A_63 = arith.muli %scan3A_61, %mul3A_62 : i32
        %add3A_64 = arith.constant 0 : i32
        %add3A_65 = arith.addi %mul3A_63, %add3A_64 : i32
        %swap3A = arith.index_cast %add3A_65 : i32 to index
        %swap3A_66 = tpu.vector_load %arg5[%swap3A] {strides = array<i32>} : memref<11264xf32, #tpu.memory_space<vmem>>, vector<16xf32>,
        tpu.vector_store %arg5[%swap3A], %broadcast_in_dim3A_14 {strides = array<i32>} : memref<11264xf32, #tpu.memory_space<vmem>>, vector<16xf32>,
        %add3A_67 = arith.constant 16 : i32
        %add3A_68 = arith.addi %mul3A_63, %add3A_67 : i32
        %swap3A_69 = arith.index_cast %add3A_68 : i32 to index
        %swap3A_70 = tpu.vector_load %arg5[%swap3A_69] {strides = array<i32>} : memref<11264xf32, #tpu.memory_space<vmem>>, vector<16xf32>,
        tpu.vector_store %arg5[%swap3A_69], %broadcast_in_dim3A_14 {strides = array<i32>} : memref<11264xf32, #tpu.memory_space<vmem>>, vector<16xf32>,
        %add3A_71 = arith.constant 32 : i32
        %add3A_72 = arith.addi %mul3A_63, %add3A_71 : i32
        %swap3A_73 = arith.index_cast %add3A_72 : i32 to index
        %swap3A_74 = tpu.vector_load %arg5[%swap3A_73] {strides = array<i32>} : memref<11264xf32, #tpu.memory_space<vmem>>, vector<16xf32>,
        tpu.vector_store %arg5[%swap3A_73], %broadcast_in_dim3A_14 {strides = array<i32>} : memref<11264xf32, #tpu.memory_space<vmem>>, vector<16xf32>,
        %add3A_75 = arith.constant 48 : i32
        %add3A_76 = arith.addi %mul3A_63, %add3A_75 : i32
        %swap3A_77 = arith.index_cast %add3A_76 : i32 to index
        %swap3A_78 = tpu.vector_load %arg5[%swap3A_77] {strides = array<i32>} : memref<11264xf32, #tpu.memory_space<vmem>>, vector<16xf32>,
        tpu.vector_store %arg5[%swap3A_77], %broadcast_in_dim3A_14 {strides = array<i32>} : memref<11264xf32, #tpu.memory_space<vmem>>, vector<16xf32>,
        %add3A_79 = arith.constant 64 : i32
        %add3A_80 = arith.addi %mul3A_63, %add3A_79 : i32
        %swap3A_81 = arith.index_cast %add3A_80 : i32 to index
        %swap3A_82 = tpu.vector_load %arg5[%swap3A_81] {strides = array<i32>} : memref<11264xf32, #tpu.memory_space<vmem>>, vector<16xf32>,
        tpu.vector_store %arg5[%swap3A_81], %broadcast_in_dim3A_14 {strides = array<i32>} : memref<11264xf32, #tpu.memory_space<vmem>>, vector<16xf32>,
        %add3A_83 = arith.constant 80 : i32
        %add3A_84 = arith.addi %mul3A_63, %add3A_83 : i32
        %swap3A_85 = arith.index_cast %add3A_84 : i32 to index
        %swap3A_86 = tpu.vector_load %arg5[%swap3A_85] {strides = array<i32>} : memref<11264xf32, #tpu.memory_space<vmem>>, vector<16xf32>,
        tpu.vector_store %arg5[%swap3A_85], %broadcast_in_dim3A_14 {strides = array<i32>} : memref<11264xf32, #tpu.memory_space<vmem>>, vector<16xf32>,
        %add3A_87 = arith.constant 96 : i32
        %add3A_88 = arith.addi %mul3A_63, %add3A_87 : i32
        %swap3A_89 = arith.index_cast %add3A_88 : i32 to index
        %swap3A_90 = tpu.vector_load %arg5[%swap3A_89] {strides = array<i32>} : memref<11264xf32, #tpu.memory_space<vmem>>, vector<16xf32>,
        tpu.vector_store %arg5[%swap3A_89], %broadcast_in_dim3A_14 {strides = array<i32>} : memref<11264xf32, #tpu.memory_space<vmem>>, vector<16xf32>,
        %add3A_91 = arith.constant 112 : i32
        %add3A_92 = arith.addi %mul3A_63, %add3A_91 : i32
        %swap3A_93 = arith.index_cast %add3A_92 : i32 to index
        %swap3A_94 = tpu.vector_load %arg5[%swap3A_93] {strides = array<i32>} : memref<11264xf32, #tpu.memory_space<vmem>>, vector<16xf32>,
        tpu.vector_store %arg5[%swap3A_93], %broadcast_in_dim3A_14 {strides = array<i32>} : memref<11264xf32, #tpu.memory_space<vmem>>, vector<16xf32>,
        %add3A_95 = arith.constant 128 : i32
        %add3A_96 = arith.addi %mul3A_63, %add3A_95 : i32
        %swap3A_97 = arith.index_cast %add3A_96 : i32 to index
        %swap3A_98 = tpu.vector_load %arg5[%swap3A_97] {strides = array<i32>} : memref<11264xf32, #tpu.memory_space<vmem>>, vector<16xf32>,
        tpu.vector_store %arg5[%swap3A_97], %broadcast_in_dim3A_14 {strides = array<i32>} : memref<11264xf32, #tpu.memory_space<vmem>>, vector<16xf32>,
        %add3A_99 = arith.constant 144 : i32
        %add3A_100 = arith.addi %mul3A_63, %add3A_99 : i32
        %swap3A_101 = arith.index_cast %add3A_100 : i32 to index
        %swap3A_102 = tpu.vector_load %arg5[%swap3A_101] {strides = array<i32>} : memref<11264xf32, #tpu.memory_space<vmem>>, vector<16xf32>,
        tpu.vector_store %arg5[%swap3A_101], %broadcast_in_dim3A_14 {strides = array<i32>} : memref<11264xf32, #tpu.memory_space<vmem>>, vector<16xf32>,
        %add3A_103 = arith.constant 160 : i32
        %add3A_104 = arith.addi %mul3A_63, %add3A_103 : i32
        %swap3A_105 = arith.index_cast %add3A_104 : i32 to index
        %swap3A_106 = tpu.vector_load %arg5[%swap3A_105] {strides = array<i32>} : memref<11264xf32, #tpu.memory_space<vmem>>, vector<16xf32>,
        tpu.vector_store %arg5[%swap3A_105], %broadcast_in_dim3A_14 {strides = array<i32>} : memref<11264xf32, #tpu.memory_space<vmem>>, vector<16xf32>,
        %add3A_107 = arith.constant 176 : i32
        %add3A_108 = arith.addi %mul3A_63, %add3A_107 : i32
        %swap3A_109 = arith.index_cast %add3A_108 : i32 to index
        %swap3A_110 = tpu.vector_load %arg5[%swap3A_109] {strides = array<i32>} : memref<11264xf32, #tpu.memory_space<vmem>>, vector<16xf32>,
        tpu.vector_store %arg5[%swap3A_109], %broadcast_in_dim3A_14 {strides = array<i32>} : memref<11264xf32, #tpu.memory_space<vmem>>, vector<16xf32>,
        %add3A_111 = arith.constant 192 : i32
        %add3A_112 = arith.addi %mul3A_63, %add3A_111 : i32
        %swap3A_113 = arith.index_cast %add3A_112 : i32 to index
        %swap3A_114 = tpu.vector_load %arg5[%swap3A_113] {strides = array<i32>} : memref<11264xf32, #tpu.memory_space<vmem>>, vector<16xf32>,
        tpu.vector_store %arg5[%swap3A_113], %broadcast_in_dim3A_14 {strides = array<i32>} : memref<11264xf32, #tpu.memory_space<vmem>>, vector<16xf32>,
        %add3A_115 = arith.constant 208 : i32
        %add3A_116 = arith.addi %mul3A_63, %add3A_115 : i32
        %swap3A_117 = arith.index_cast %add3A_116 : i32 to index
        %swap3A_118 = tpu.vector_load %arg5[%swap3A_117] {strides = array<i32>} : memref<11264xf32, #tpu.memory_space<vmem>>, vector<16xf32>,
        tpu.vector_store %arg5[%swap3A_117], %broadcast_in_dim3A_14 {strides = array<i32>} : memref<11264xf32, #tpu.memory_space<vmem>>, vector<16xf32>,
        %add3A_119 = arith.constant 224 : i32
        %add3A_120 = arith.addi %mul3A_63, %add3A_119 : i32
        %swap3A_121 = arith.index_cast %add3A_120 : i32 to index
        %swap3A_122 = tpu.vector_load %arg5[%swap3A_121] {strides = array<i32>} : memref<11264xf32, #tpu.memory_space<vmem>>, vector<16xf32>,
        tpu.vector_store %arg5[%swap3A_121], %broadcast_in_dim3A_14 {strides = array<i32>} : memref<11264xf32, #tpu.memory_space<vmem>>, vector<16xf32>,
        %add3A_123 = arith.constant 240 : i32
        %add3A_124 = arith.addi %mul3A_63, %add3A_123 : i32
        %swap3A_125 = arith.index_cast %add3A_124 : i32 to index
        %swap3A_126 = tpu.vector_load %arg5[%swap3A_125] {strides = array<i32>} : memref<11264xf32, #tpu.memory_space<vmem>>, vector<16xf32>,
        tpu.vector_store %arg5[%swap3A_125], %broadcast_in_dim3A_14 {strides = array<i32>} : memref<11264xf32, #tpu.memory_space<vmem>>, vector<16xf32>,
      }
      %scan3A_18 = arith.constant 44 : i32
      %iota3A = tpu.iota {dimensions = array<i32: 0>} : vector<16xi32>
      %shift_right_arithmetic3A_19 = arith.constant 3 : i32
      %shift_right_arithmetic3A_20 = vector.broadcast %shift_right_arithmetic3A_19 : i32 to vector<16xi32>
      %shift_right_arithmetic3A_21 = arith.shrsi %iota3A, %shift_right_arithmetic3A_20 : vector<16xi32>
      %shift_left3A = arith.constant 6 : i32
      %shift_left3A_22 = vector.broadcast %shift_left3A : i32 to vector<16xi32>
      %shift_left3A_23 = arith.shli %shift_right_arithmetic3A_21, %shift_left3A_22 : vector<16xi32>
      %dma_wait3A = arith.constant 0 : i32
      %dma_wait3A_24 = arith.constant 0 : i32
      %dma_wait3A_25 = arith.constant 0 : i32
      %dma_wait3A_26 = tpu.memref_slice %arg2[%dma_wait3A, %shift_right_arithmetic3A_3, %dma_wait3A_24, %mul3A_6, %dma_wait3A_25] : memref<1x6x1x128x352xf32, #tpu.memory_space<hbm>> -> memref<1x1x1x32x352xf32, #tpu.memory_space<hbm>>
      %dma_wait3A_27 = tpu.memref_squeeze %dma_wait3A_26 : memref<1x1x1x32x352xf32, #tpu.memory_space<hbm>> -> memref<32x352xf32, #tpu.memory_space<hbm>>
      %dma_wait3A_28 = arith.constant 0 : i32
      %dma_wait3A_29 = tpu.memref_slice %arg2[%dma_wait3A, %shift_right_arithmetic3A_3, %dma_wait3A_24, %mul3A_6, %dma_wait3A_28] : memref<1x6x1x128x352xf32, #tpu.memory_space<hbm>> -> memref<1x1x1x32x352xf32, #tpu.memory_space<hbm>>
      %dma_wait3A_30 = tpu.memref_squeeze %dma_wait3A_29 : memref<1x1x1x32x352xf32, #tpu.memory_space<hbm>> -> memref<32x352xf32, #tpu.memory_space<hbm>>
      tpu.wait_dma2 semaphore(%arg8 : memref<!tpu.dma_semaphore, #tpu.memory_space<semaphore_mem>>) src(%dma_wait3A_30 : memref<32x352xf32, #tpu.memory_space<hbm>>) dst(%arg4 : memref<32x352xf32, #tpu.memory_space<vmem>>)
      %scan3A_31 = arith.constant 0 : i32
      %scan3A_32 = arith.constant 32 : i32
      %scan3A_33 = arith.addi %scan3A_31, %scan3A_32 : i32
      %scan3A_34 = arith.constant 1 : i32
      scf.for %scan3A_61 = %scan3A_31 to %scan3A_33 step %scan3A_34  : i32 {
        %shift_right_arithmetic3A_62 = arith.constant 3 : i32
        %shift_right_arithmetic3A_63 = arith.shrsi %scan3A_61, %shift_right_arithmetic3A_62 : i32
        %mul3A_64 = arith.constant 2816 : i32
        %mul3A_65 = arith.muli %shift_right_arithmetic3A_63, %mul3A_64 : i32
        %get3A = arith.index_cast %scan3A_61 : i32 to index
        %get3A_66 = arith.constant 0 : index
        %get3A_67 = tpu.vector_load %arg4[%get3A, %get3A_66] {strides = array<i32>} : memref<32x352xf32, #tpu.memory_space<vmem>>, vector<16xf32>,
        %get3A_68 = arith.index_cast %scan3A_61 : i32 to index
        %get3A_69 = arith.constant 16 : index
        %get3A_70 = tpu.vector_load %arg4[%get3A_68, %get3A_69] {strides = array<i32>} : memref<32x352xf32, #tpu.memory_space<vmem>>, vector<16xf32>,
        %get3A_71 = arith.index_cast %scan3A_61 : i32 to index
        %get3A_72 = arith.constant 32 : index
        %get3A_73 = tpu.vector_load %arg4[%get3A_71, %get3A_72] {strides = array<i32>} : memref<32x352xf32, #tpu.memory_space<vmem>>, vector<16xf32>,
        %get3A_74 = arith.index_cast %scan3A_61 : i32 to index
        %get3A_75 = arith.constant 48 : index
        %get3A_76 = tpu.vector_load %arg4[%get3A_74, %get3A_75] {strides = array<i32>} : memref<32x352xf32, #tpu.memory_space<vmem>>, vector<16xf32>,
        %get3A_77 = arith.index_cast %scan3A_61 : i32 to index
        %get3A_78 = arith.constant 64 : index
        %get3A_79 = tpu.vector_load %arg4[%get3A_77, %get3A_78] {strides = array<i32>} : memref<32x352xf32, #tpu.memory_space<vmem>>, vector<16xf32>,
        %get3A_80 = arith.index_cast %scan3A_61 : i32 to index
        %get3A_81 = arith.constant 80 : index
        %get3A_82 = tpu.vector_load %arg4[%get3A_80, %get3A_81] {strides = array<i32>} : memref<32x352xf32, #tpu.memory_space<vmem>>, vector<16xf32>,
        %get3A_83 = arith.index_cast %scan3A_61 : i32 to index
        %get3A_84 = arith.constant 96 : index
        %get3A_85 = tpu.vector_load %arg4[%get3A_83, %get3A_84] {strides = array<i32>} : memref<32x352xf32, #tpu.memory_space<vmem>>, vector<16xf32>,
        %get3A_86 = arith.index_cast %scan3A_61 : i32 to index
        %get3A_87 = arith.constant 112 : index
        %get3A_88 = tpu.vector_load %arg4[%get3A_86, %get3A_87] {strides = array<i32>} : memref<32x352xf32, #tpu.memory_space<vmem>>, vector<16xf32>,
        %get3A_89 = arith.index_cast %scan3A_61 : i32 to index
        %get3A_90 = arith.constant 128 : index
        %get3A_91 = tpu.vector_load %arg4[%get3A_89, %get3A_90] {strides = array<i32>} : memref<32x352xf32, #tpu.memory_space<vmem>>, vector<16xf32>,
        %get3A_92 = arith.index_cast %scan3A_61 : i32 to index
        %get3A_93 = arith.constant 144 : index
        %get3A_94 = tpu.vector_load %arg4[%get3A_92, %get3A_93] {strides = array<i32>} : memref<32x352xf32, #tpu.memory_space<vmem>>, vector<16xf32>,
        %get3A_95 = arith.index_cast %scan3A_61 : i32 to index
        %get3A_96 = arith.constant 160 : index
        %get3A_97 = tpu.vector_load %arg4[%get3A_95, %get3A_96] {strides = array<i32>} : memref<32x352xf32, #tpu.memory_space<vmem>>, vector<16xf32>,
        %mul3A_98 = arith.constant 6.46153831 : f32
        %mul3A_99 = vector.broadcast %mul3A_98 : f32 to vector<16xf32>
        %mul3A_100 = arith.mulf %get3A_67, %mul3A_99 : vector<16xf32>
        %add3A_101 = arith.constant -1.61538458 : f32
        %add3A_102 = vector.broadcast %add3A_101 : f32 to vector<16xf32>
        %add3A_103 = arith.addf %mul3A_100, %add3A_102 : vector<16xf32>
        %max3A = arith.constant 0.000000e+00 : f32
        %max3A_104 = vector.broadcast %max3A : f32 to vector<16xf32>
        %max3A_105 = arith.maximumf %add3A_103, %max3A_104 : vector<16xf32>
        %min3A = arith.constant 6.300000e+01 : f32
        %min3A_106 = vector.broadcast %min3A : f32 to vector<16xf32>
        %min3A_107 = arith.minimumf %max3A_105, %min3A_106 : vector<16xf32>
        %mul3A_108 = arith.constant 6.46153831 : f32
        %mul3A_109 = vector.broadcast %mul3A_108 : f32 to vector<16xf32>
        %mul3A_110 = arith.mulf %get3A_70, %mul3A_109 : vector<16xf32>
        %add3A_111 = arith.constant -1.61538458 : f32
        %add3A_112 = vector.broadcast %add3A_111 : f32 to vector<16xf32>
        %add3A_113 = arith.addf %mul3A_110, %add3A_112 : vector<16xf32>
        %max3A_114 = arith.constant 0.000000e+00 : f32
        %max3A_115 = vector.broadcast %max3A_114 : f32 to vector<16xf32>
        %max3A_116 = arith.maximumf %add3A_113, %max3A_115 : vector<16xf32>
        %min3A_117 = arith.constant 6.300000e+01 : f32
        %min3A_118 = vector.broadcast %min3A_117 : f32 to vector<16xf32>
        %min3A_119 = arith.minimumf %max3A_116, %min3A_118 : vector<16xf32>
        %mul3A_120 = arith.constant 6.46153831 : f32
        %mul3A_121 = vector.broadcast %mul3A_120 : f32 to vector<16xf32>
        %mul3A_122 = arith.mulf %get3A_73, %mul3A_121 : vector<16xf32>
        %add3A_123 = arith.constant -1.61538458 : f32
        %add3A_124 = vector.broadcast %add3A_123 : f32 to vector<16xf32>
        %add3A_125 = arith.addf %mul3A_122, %add3A_124 : vector<16xf32>
        %max3A_126 = arith.constant 0.000000e+00 : f32
        %max3A_127 = vector.broadcast %max3A_126 : f32 to vector<16xf32>
        %max3A_128 = arith.maximumf %add3A_125, %max3A_127 : vector<16xf32>
        %min3A_129 = arith.constant 6.300000e+01 : f32
        %min3A_130 = vector.broadcast %min3A_129 : f32 to vector<16xf32>
        %min3A_131 = arith.minimumf %max3A_128, %min3A_130 : vector<16xf32>
        %mul3A_132 = arith.constant 6.46153831 : f32
        %mul3A_133 = vector.broadcast %mul3A_132 : f32 to vector<16xf32>
        %mul3A_134 = arith.mulf %get3A_76, %mul3A_133 : vector<16xf32>
        %add3A_135 = arith.constant -1.61538458 : f32
        %add3A_136 = vector.broadcast %add3A_135 : f32 to vector<16xf32>
        %add3A_137 = arith.addf %mul3A_134, %add3A_136 : vector<16xf32>
        %max3A_138 = arith.constant 0.000000e+00 : f32
        %max3A_139 = vector.broadcast %max3A_138 : f32 to vector<16xf32>
        %max3A_140 = arith.maximumf %add3A_137, %max3A_139 : vector<16xf32>
        %min3A_141 = arith.constant 6.300000e+01 : f32
        %min3A_142 = vector.broadcast %min3A_141 : f32 to vector<16xf32>
        %min3A_143 = arith.minimumf %max3A_140, %min3A_142 : vector<16xf32>
        %mul3A_144 = arith.constant 6.46153831 : f32
        %mul3A_145 = vector.broadcast %mul3A_144 : f32 to vector<16xf32>
        %mul3A_146 = arith.mulf %get3A_79, %mul3A_145 : vector<16xf32>
        %add3A_147 = arith.constant -1.61538458 : f32
        %add3A_148 = vector.broadcast %add3A_147 : f32 to vector<16xf32>
        %add3A_149 = arith.addf %mul3A_146, %add3A_148 : vector<16xf32>
        %max3A_150 = arith.constant 0.000000e+00 : f32
        %max3A_151 = vector.broadcast %max3A_150 : f32 to vector<16xf32>
        %max3A_152 = arith.maximumf %add3A_149, %max3A_151 : vector<16xf32>
        %min3A_153 = arith.constant 6.300000e+01 : f32
        %min3A_154 = vector.broadcast %min3A_153 : f32 to vector<16xf32>
        %min3A_155 = arith.minimumf %max3A_152, %min3A_154 : vector<16xf32>
        %mul3A_156 = arith.constant 6.46153831 : f32
        %mul3A_157 = vector.broadcast %mul3A_156 : f32 to vector<16xf32>
        %mul3A_158 = arith.mulf %get3A_82, %mul3A_157 : vector<16xf32>
        %add3A_159 = arith.constant -1.61538458 : f32
        %add3A_160 = vector.broadcast %add3A_159 : f32 to vector<16xf32>
        %add3A_161 = arith.addf %mul3A_158, %add3A_160 : vector<16xf32>
        %max3A_162 = arith.constant 0.000000e+00 : f32
        %max3A_163 = vector.broadcast %max3A_162 : f32 to vector<16xf32>
        %max3A_164 = arith.maximumf %add3A_161, %max3A_163 : vector<16xf32>
        %min3A_165 = arith.constant 6.300000e+01 : f32
        %min3A_166 = vector.broadcast %min3A_165 : f32 to vector<16xf32>
        %min3A_167 = arith.minimumf %max3A_164, %min3A_166 : vector<16xf32>
        %mul3A_168 = arith.constant 6.46153831 : f32
        %mul3A_169 = vector.broadcast %mul3A_168 : f32 to vector<16xf32>
        %mul3A_170 = arith.mulf %get3A_85, %mul3A_169 : vector<16xf32>
        %add3A_171 = arith.constant -1.61538458 : f32
        %add3A_172 = vector.broadcast %add3A_171 : f32 to vector<16xf32>
        %add3A_173 = arith.addf %mul3A_170, %add3A_172 : vector<16xf32>
        %max3A_174 = arith.constant 0.000000e+00 : f32
        %max3A_175 = vector.broadcast %max3A_174 : f32 to vector<16xf32>
        %max3A_176 = arith.maximumf %add3A_173, %max3A_175 : vector<16xf32>
        %min3A_177 = arith.constant 6.300000e+01 : f32
        %min3A_178 = vector.broadcast %min3A_177 : f32 to vector<16xf32>
        %min3A_179 = arith.minimumf %max3A_176, %min3A_178 : vector<16xf32>
        %mul3A_180 = arith.constant 6.46153831 : f32
        %mul3A_181 = vector.broadcast %mul3A_180 : f32 to vector<16xf32>
        %mul3A_182 = arith.mulf %get3A_88, %mul3A_181 : vector<16xf32>
        %add3A_183 = arith.constant -1.61538458 : f32
        %add3A_184 = vector.broadcast %add3A_183 : f32 to vector<16xf32>
        %add3A_185 = arith.addf %mul3A_182, %add3A_184 : vector<16xf32>
        %max3A_186 = arith.constant 0.000000e+00 : f32
        %max3A_187 = vector.broadcast %max3A_186 : f32 to vector<16xf32>
        %max3A_188 = arith.maximumf %add3A_185, %max3A_187 : vector<16xf32>
        %min3A_189 = arith.constant 6.300000e+01 : f32
        %min3A_190 = vector.broadcast %min3A_189 : f32 to vector<16xf32>
        %min3A_191 = arith.minimumf %max3A_188, %min3A_190 : vector<16xf32>
        %mul3A_192 = arith.constant 6.46153831 : f32
        %mul3A_193 = vector.broadcast %mul3A_192 : f32 to vector<16xf32>
        %mul3A_194 = arith.mulf %get3A_91, %mul3A_193 : vector<16xf32>
        %add3A_195 = arith.constant -1.61538458 : f32
        %add3A_196 = vector.broadcast %add3A_195 : f32 to vector<16xf32>
        %add3A_197 = arith.addf %mul3A_194, %add3A_196 : vector<16xf32>
        %max3A_198 = arith.constant 0.000000e+00 : f32
        %max3A_199 = vector.broadcast %max3A_198 : f32 to vector<16xf32>
        %max3A_200 = arith.maximumf %add3A_197, %max3A_199 : vector<16xf32>
        %min3A_201 = arith.constant 6.300000e+01 : f32
        %min3A_202 = vector.broadcast %min3A_201 : f32 to vector<16xf32>
        %min3A_203 = arith.minimumf %max3A_200, %min3A_202 : vector<16xf32>
        %mul3A_204 = arith.constant 6.46153831 : f32
        %mul3A_205 = vector.broadcast %mul3A_204 : f32 to vector<16xf32>
        %mul3A_206 = arith.mulf %get3A_94, %mul3A_205 : vector<16xf32>
        %add3A_207 = arith.constant -1.61538458 : f32
        %add3A_208 = vector.broadcast %add3A_207 : f32 to vector<16xf32>
        %add3A_209 = arith.addf %mul3A_206, %add3A_208 : vector<16xf32>
        %max3A_210 = arith.constant 0.000000e+00 : f32
        %max3A_211 = vector.broadcast %max3A_210 : f32 to vector<16xf32>
        %max3A_212 = arith.maximumf %add3A_209, %max3A_211 : vector<16xf32>
        %min3A_213 = arith.constant 6.300000e+01 : f32
        %min3A_214 = vector.broadcast %min3A_213 : f32 to vector<16xf32>
        %min3A_215 = arith.minimumf %max3A_212, %min3A_214 : vector<16xf32>
        %mul3A_216 = arith.constant 6.46153831 : f32
        %mul3A_217 = vector.broadcast %mul3A_216 : f32 to vector<16xf32>
        %mul3A_218 = arith.mulf %get3A_97, %mul3A_217 : vector<16xf32>
        %add3A_219 = arith.constant -1.61538458 : f32
        %add3A_220 = vector.broadcast %add3A_219 : f32 to vector<16xf32>
        %add3A_221 = arith.addf %mul3A_218, %add3A_220 : vector<16xf32>
        %max3A_222 = arith.constant 0.000000e+00 : f32
        %max3A_223 = vector.broadcast %max3A_222 : f32 to vector<16xf32>
        %max3A_224 = arith.maximumf %add3A_221, %max3A_223 : vector<16xf32>
        %min3A_225 = arith.constant 6.300000e+01 : f32
        %min3A_226 = vector.broadcast %min3A_225 : f32 to vector<16xf32>
        %min3A_227 = arith.minimumf %max3A_224, %min3A_226 : vector<16xf32>
        %min3A_228 = arith.constant 6.250000e+01 : f32
        %min3A_229 = vector.broadcast %min3A_228 : f32 to vector<16xf32>
        %min3A_230 = arith.minimumf %min3A_107, %min3A_229 : vector<16xf32>
        %convert_element_type3A_231 = arith.fptosi %min3A_230 : vector<16xf32> to vector<16xi32>
        %min3A_232 = arith.constant 6.250000e+01 : f32
        %min3A_233 = vector.broadcast %min3A_232 : f32 to vector<16xf32>
        %min3A_234 = arith.minimumf %min3A_119, %min3A_233 : vector<16xf32>
        %convert_element_type3A_235 = arith.fptosi %min3A_234 : vector<16xf32> to vector<16xi32>
        %min3A_236 = arith.constant 6.250000e+01 : f32
        %min3A_237 = vector.broadcast %min3A_236 : f32 to vector<16xf32>
        %min3A_238 = arith.minimumf %min3A_131, %min3A_237 : vector<16xf32>
        %convert_element_type3A_239 = arith.fptosi %min3A_238 : vector<16xf32> to vector<16xi32>
        %min3A_240 = arith.constant 6.250000e+01 : f32
        %min3A_241 = vector.broadcast %min3A_240 : f32 to vector<16xf32>
        %min3A_242 = arith.minimumf %min3A_143, %min3A_241 : vector<16xf32>
        %convert_element_type3A_243 = arith.fptosi %min3A_242 : vector<16xf32> to vector<16xi32>
        %min3A_244 = arith.constant 6.250000e+01 : f32
        %min3A_245 = vector.broadcast %min3A_244 : f32 to vector<16xf32>
        %min3A_246 = arith.minimumf %min3A_155, %min3A_245 : vector<16xf32>
        %convert_element_type3A_247 = arith.fptosi %min3A_246 : vector<16xf32> to vector<16xi32>
        %min3A_248 = arith.constant 6.250000e+01 : f32
        %min3A_249 = vector.broadcast %min3A_248 : f32 to vector<16xf32>
        %min3A_250 = arith.minimumf %min3A_167, %min3A_249 : vector<16xf32>
        %convert_element_type3A_251 = arith.fptosi %min3A_250 : vector<16xf32> to vector<16xi32>
        %min3A_252 = arith.constant 6.250000e+01 : f32
        %min3A_253 = vector.broadcast %min3A_252 : f32 to vector<16xf32>
        %min3A_254 = arith.minimumf %min3A_179, %min3A_253 : vector<16xf32>
        %convert_element_type3A_255 = arith.fptosi %min3A_254 : vector<16xf32> to vector<16xi32>
        %min3A_256 = arith.constant 6.250000e+01 : f32
        %min3A_257 = vector.broadcast %min3A_256 : f32 to vector<16xf32>
        %min3A_258 = arith.minimumf %min3A_191, %min3A_257 : vector<16xf32>
        %convert_element_type3A_259 = arith.fptosi %min3A_258 : vector<16xf32> to vector<16xi32>
        %min3A_260 = arith.constant 6.250000e+01 : f32
        %min3A_261 = vector.broadcast %min3A_260 : f32 to vector<16xf32>
        %min3A_262 = arith.minimumf %min3A_203, %min3A_261 : vector<16xf32>
        %convert_element_type3A_263 = arith.fptosi %min3A_262 : vector<16xf32> to vector<16xi32>
        %min3A_264 = arith.constant 6.250000e+01 : f32
        %min3A_265 = vector.broadcast %min3A_264 : f32 to vector<16xf32>
        %min3A_266 = arith.minimumf %min3A_215, %min3A_265 : vector<16xf32>
        %convert_element_type3A_267 = arith.fptosi %min3A_266 : vector<16xf32> to vector<16xi32>
        %min3A_268 = arith.constant 6.250000e+01 : f32
        %min3A_269 = vector.broadcast %min3A_268 : f32 to vector<16xf32>
        %min3A_270 = arith.minimumf %min3A_227, %min3A_269 : vector<16xf32>
        %convert_element_type3A_271 = arith.fptosi %min3A_270 : vector<16xf32> to vector<16xi32>
        %convert_element_type3A_272 = arith.sitofp %convert_element_type3A_231 : vector<16xi32> to vector<16xf32>
        %sub3A = arith.subf %min3A_107, %convert_element_type3A_272 : vector<16xf32>
        %convert_element_type3A_273 = arith.sitofp %convert_element_type3A_235 : vector<16xi32> to vector<16xf32>
        %sub3A_274 = arith.subf %min3A_119, %convert_element_type3A_273 : vector<16xf32>
        %convert_element_type3A_275 = arith.sitofp %convert_element_type3A_239 : vector<16xi32> to vector<16xf32>
        %sub3A_276 = arith.subf %min3A_131, %convert_element_type3A_275 : vector<16xf32>
        %convert_element_type3A_277 = arith.sitofp %convert_element_type3A_243 : vector<16xi32> to vector<16xf32>
        %sub3A_278 = arith.subf %min3A_143, %convert_element_type3A_277 : vector<16xf32>
        %convert_element_type3A_279 = arith.sitofp %convert_element_type3A_247 : vector<16xi32> to vector<16xf32>
        %sub3A_280 = arith.subf %min3A_155, %convert_element_type3A_279 : vector<16xf32>
        %convert_element_type3A_281 = arith.sitofp %convert_element_type3A_251 : vector<16xi32> to vector<16xf32>
        %sub3A_282 = arith.subf %min3A_167, %convert_element_type3A_281 : vector<16xf32>
        %convert_element_type3A_283 = arith.sitofp %convert_element_type3A_255 : vector<16xi32> to vector<16xf32>
        %sub3A_284 = arith.subf %min3A_179, %convert_element_type3A_283 : vector<16xf32>
        %convert_element_type3A_285 = arith.sitofp %convert_element_type3A_259 : vector<16xi32> to vector<16xf32>
        %sub3A_286 = arith.subf %min3A_191, %convert_element_type3A_285 : vector<16xf32>
        %convert_element_type3A_287 = arith.sitofp %convert_element_type3A_263 : vector<16xi32> to vector<16xf32>
        %sub3A_288 = arith.subf %min3A_203, %convert_element_type3A_287 : vector<16xf32>
        %convert_element_type3A_289 = arith.sitofp %convert_element_type3A_267 : vector<16xi32> to vector<16xf32>
        %sub3A_290 = arith.subf %min3A_215, %convert_element_type3A_289 : vector<16xf32>
        %convert_element_type3A_291 = arith.sitofp %convert_element_type3A_271 : vector<16xi32> to vector<16xf32>
        %sub3A_292 = arith.subf %min3A_227, %convert_element_type3A_291 : vector<16xf32>
        %mul3A_293 = arith.constant 1.562500e-02 : f32
        %mul3A_294 = vector.broadcast %mul3A_293 : f32 to vector<16xf32>
        %mul3A_295 = arith.mulf %sub3A, %mul3A_294 : vector<16xf32>
        %mul3A_296 = arith.constant 1.562500e-02 : f32
        %mul3A_297 = vector.broadcast %mul3A_296 : f32 to vector<16xf32>
        %mul3A_298 = arith.mulf %sub3A_274, %mul3A_297 : vector<16xf32>
        %mul3A_299 = arith.constant 1.562500e-02 : f32
        %mul3A_300 = vector.broadcast %mul3A_299 : f32 to vector<16xf32>
        %mul3A_301 = arith.mulf %sub3A_276, %mul3A_300 : vector<16xf32>
        %mul3A_302 = arith.constant 1.562500e-02 : f32
        %mul3A_303 = vector.broadcast %mul3A_302 : f32 to vector<16xf32>
        %mul3A_304 = arith.mulf %sub3A_278, %mul3A_303 : vector<16xf32>
        %mul3A_305 = arith.constant 1.562500e-02 : f32
        %mul3A_306 = vector.broadcast %mul3A_305 : f32 to vector<16xf32>
        %mul3A_307 = arith.mulf %sub3A_280, %mul3A_306 : vector<16xf32>
        %mul3A_308 = arith.constant 1.562500e-02 : f32
        %mul3A_309 = vector.broadcast %mul3A_308 : f32 to vector<16xf32>
        %mul3A_310 = arith.mulf %sub3A_282, %mul3A_309 : vector<16xf32>
        %mul3A_311 = arith.constant 1.562500e-02 : f32
        %mul3A_312 = vector.broadcast %mul3A_311 : f32 to vector<16xf32>
        %mul3A_313 = arith.mulf %sub3A_284, %mul3A_312 : vector<16xf32>
        %mul3A_314 = arith.constant 1.562500e-02 : f32
        %mul3A_315 = vector.broadcast %mul3A_314 : f32 to vector<16xf32>
        %mul3A_316 = arith.mulf %sub3A_286, %mul3A_315 : vector<16xf32>
        %mul3A_317 = arith.constant 1.562500e-02 : f32
        %mul3A_318 = vector.broadcast %mul3A_317 : f32 to vector<16xf32>
        %mul3A_319 = arith.mulf %sub3A_288, %mul3A_318 : vector<16xf32>
        %mul3A_320 = arith.constant 1.562500e-02 : f32
        %mul3A_321 = vector.broadcast %mul3A_320 : f32 to vector<16xf32>
        %mul3A_322 = arith.mulf %sub3A_290, %mul3A_321 : vector<16xf32>
        %mul3A_323 = arith.constant 1.562500e-02 : f32
        %mul3A_324 = vector.broadcast %mul3A_323 : f32 to vector<16xf32>
        %mul3A_325 = arith.mulf %sub3A_292, %mul3A_324 : vector<16xf32>
        %sub3A_326 = arith.constant 1.562500e-02 : f32
        %sub3A_327 = vector.broadcast %sub3A_326 : f32 to vector<16xf32>
        %sub3A_328 = arith.subf %sub3A_327, %mul3A_295 : vector<16xf32>
        %sub3A_329 = arith.constant 1.562500e-02 : f32
        %sub3A_330 = vector.broadcast %sub3A_329 : f32 to vector<16xf32>
        %sub3A_331 = arith.subf %sub3A_330, %mul3A_298 : vector<16xf32>
        %sub3A_332 = arith.constant 1.562500e-02 : f32
        %sub3A_333 = vector.broadcast %sub3A_332 : f32 to vector<16xf32>
        %sub3A_334 = arith.subf %sub3A_333, %mul3A_301 : vector<16xf32>
        %sub3A_335 = arith.constant 1.562500e-02 : f32
        %sub3A_336 = vector.broadcast %sub3A_335 : f32 to vector<16xf32>
        %sub3A_337 = arith.subf %sub3A_336, %mul3A_304 : vector<16xf32>
        %sub3A_338 = arith.constant 1.562500e-02 : f32
        %sub3A_339 = vector.broadcast %sub3A_338 : f32 to vector<16xf32>
        %sub3A_340 = arith.subf %sub3A_339, %mul3A_307 : vector<16xf32>
        %sub3A_341 = arith.constant 1.562500e-02 : f32
        %sub3A_342 = vector.broadcast %sub3A_341 : f32 to vector<16xf32>
        %sub3A_343 = arith.subf %sub3A_342, %mul3A_310 : vector<16xf32>
        %sub3A_344 = arith.constant 1.562500e-02 : f32
        %sub3A_345 = vector.broadcast %sub3A_344 : f32 to vector<16xf32>
        %sub3A_346 = arith.subf %sub3A_345, %mul3A_313 : vector<16xf32>
        %sub3A_347 = arith.constant 1.562500e-02 : f32
        %sub3A_348 = vector.broadcast %sub3A_347 : f32 to vector<16xf32>
        %sub3A_349 = arith.subf %sub3A_348, %mul3A_316 : vector<16xf32>
        %sub3A_350 = arith.constant 1.562500e-02 : f32
        %sub3A_351 = vector.broadcast %sub3A_350 : f32 to vector<16xf32>
        %sub3A_352 = arith.subf %sub3A_351, %mul3A_319 : vector<16xf32>
        %sub3A_353 = arith.constant 1.562500e-02 : f32
        %sub3A_354 = vector.broadcast %sub3A_353 : f32 to vector<16xf32>
        %sub3A_355 = arith.subf %sub3A_354, %mul3A_322 : vector<16xf32>
        %sub3A_356 = arith.constant 1.562500e-02 : f32
        %sub3A_357 = vector.broadcast %sub3A_356 : f32 to vector<16xf32>
        %sub3A_358 = arith.subf %sub3A_357, %mul3A_325 : vector<16xf32>
        %add3A_359 = arith.addi %shift_left3A_23, %convert_element_type3A_231 : vector<16xi32>
        %add3A_360 = arith.addi %shift_left3A_23, %convert_element_type3A_235 : vector<16xi32>
        %add3A_361 = arith.addi %shift_left3A_23, %convert_element_type3A_239 : vector<16xi32>
        %add3A_362 = arith.addi %shift_left3A_23, %convert_element_type3A_243 : vector<16xi32>
        %add3A_363 = arith.addi %shift_left3A_23, %convert_element_type3A_247 : vector<16xi32>
        %add3A_364 = arith.addi %shift_left3A_23, %convert_element_type3A_251 : vector<16xi32>
        %add3A_365 = arith.addi %shift_left3A_23, %convert_element_type3A_255 : vector<16xi32>
        %add3A_366 = arith.addi %shift_left3A_23, %convert_element_type3A_259 : vector<16xi32>
        %add3A_367 = arith.addi %shift_left3A_23, %convert_element_type3A_263 : vector<16xi32>
        %add3A_368 = arith.addi %shift_left3A_23, %convert_element_type3A_267 : vector<16xi32>
        %add3A_369 = arith.addi %shift_left3A_23, %convert_element_type3A_271 : vector<16xi32>
        %add3A_370 = arith.constant 0 : i32
        %add3A_371 = arith.addi %mul3A_65, %add3A_370 : i32
        %scatter3A = tpu.memref_slice %arg5[%add3A_371] : memref<11264xf32, #tpu.memory_space<vmem>> -> memref<128xf32, #tpu.memory_space<vmem>>
        tpu.vector_store_idx %scatter3A[%add3A_359], %sub3A_328 {add = true} : memref<128xf32, #tpu.memory_space<vmem>>[vector<16xi32>], vector<16xf32>,
        %add3A_372 = arith.constant 1 : i32
        %add3A_373 = vector.broadcast %add3A_372 : i32 to vector<16xi32>
        %add3A_374 = arith.addi %add3A_359, %add3A_373 : vector<16xi32>
        %scatter3A_375 = tpu.memref_slice %arg5[%add3A_371] : memref<11264xf32, #tpu.memory_space<vmem>> -> memref<128xf32, #tpu.memory_space<vmem>>
        tpu.vector_store_idx %scatter3A_375[%add3A_374], %mul3A_295 {add = true} : memref<128xf32, #tpu.memory_space<vmem>>[vector<16xi32>], vector<16xf32>,
        %add3A_376 = arith.constant 128 : i32
        %add3A_377 = arith.addi %mul3A_65, %add3A_376 : i32
        %scatter3A_378 = tpu.memref_slice %arg5[%add3A_377] : memref<11264xf32, #tpu.memory_space<vmem>> -> memref<128xf32, #tpu.memory_space<vmem>>
        tpu.vector_store_idx %scatter3A_378[%add3A_360], %sub3A_331 {add = true} : memref<128xf32, #tpu.memory_space<vmem>>[vector<16xi32>], vector<16xf32>,
        %add3A_379 = arith.constant 1 : i32
        %add3A_380 = vector.broadcast %add3A_379 : i32 to vector<16xi32>
        %add3A_381 = arith.addi %add3A_360, %add3A_380 : vector<16xi32>
        %scatter3A_382 = tpu.memref_slice %arg5[%add3A_377] : memref<11264xf32, #tpu.memory_space<vmem>> -> memref<128xf32, #tpu.memory_space<vmem>>
        tpu.vector_store_idx %scatter3A_382[%add3A_381], %mul3A_298 {add = true} : memref<128xf32, #tpu.memory_space<vmem>>[vector<16xi32>], vector<16xf32>,
        %add3A_383 = arith.constant 256 : i32
        %add3A_384 = arith.addi %mul3A_65, %add3A_383 : i32
        %scatter3A_385 = tpu.memref_slice %arg5[%add3A_384] : memref<11264xf32, #tpu.memory_space<vmem>> -> memref<128xf32, #tpu.memory_space<vmem>>
        tpu.vector_store_idx %scatter3A_385[%add3A_361], %sub3A_334 {add = true} : memref<128xf32, #tpu.memory_space<vmem>>[vector<16xi32>], vector<16xf32>,
        %add3A_386 = arith.constant 1 : i32
        %add3A_387 = vector.broadcast %add3A_386 : i32 to vector<16xi32>
        %add3A_388 = arith.addi %add3A_361, %add3A_387 : vector<16xi32>
        %scatter3A_389 = tpu.memref_slice %arg5[%add3A_384] : memref<11264xf32, #tpu.memory_space<vmem>> -> memref<128xf32, #tpu.memory_space<vmem>>
        tpu.vector_store_idx %scatter3A_389[%add3A_388], %mul3A_301 {add = true} : memref<128xf32, #tpu.memory_space<vmem>>[vector<16xi32>], vector<16xf32>,
        %add3A_390 = arith.constant 384 : i32
        %add3A_391 = arith.addi %mul3A_65, %add3A_390 : i32
        %scatter3A_392 = tpu.memref_slice %arg5[%add3A_391] : memref<11264xf32, #tpu.memory_space<vmem>> -> memref<128xf32, #tpu.memory_space<vmem>>
        tpu.vector_store_idx %scatter3A_392[%add3A_362], %sub3A_337 {add = true} : memref<128xf32, #tpu.memory_space<vmem>>[vector<16xi32>], vector<16xf32>,
        %add3A_393 = arith.constant 1 : i32
        %add3A_394 = vector.broadcast %add3A_393 : i32 to vector<16xi32>
        %add3A_395 = arith.addi %add3A_362, %add3A_394 : vector<16xi32>
        %scatter3A_396 = tpu.memref_slice %arg5[%add3A_391] : memref<11264xf32, #tpu.memory_space<vmem>> -> memref<128xf32, #tpu.memory_space<vmem>>
        tpu.vector_store_idx %scatter3A_396[%add3A_395], %mul3A_304 {add = true} : memref<128xf32, #tpu.memory_space<vmem>>[vector<16xi32>], vector<16xf32>,
        %add3A_397 = arith.constant 512 : i32
        %add3A_398 = arith.addi %mul3A_65, %add3A_397 : i32
        %scatter3A_399 = tpu.memref_slice %arg5[%add3A_398] : memref<11264xf32, #tpu.memory_space<vmem>> -> memref<128xf32, #tpu.memory_space<vmem>>
        tpu.vector_store_idx %scatter3A_399[%add3A_363], %sub3A_340 {add = true} : memref<128xf32, #tpu.memory_space<vmem>>[vector<16xi32>], vector<16xf32>,
        %add3A_400 = arith.constant 1 : i32
        %add3A_401 = vector.broadcast %add3A_400 : i32 to vector<16xi32>
        %add3A_402 = arith.addi %add3A_363, %add3A_401 : vector<16xi32>
        %scatter3A_403 = tpu.memref_slice %arg5[%add3A_398] : memref<11264xf32, #tpu.memory_space<vmem>> -> memref<128xf32, #tpu.memory_space<vmem>>
        tpu.vector_store_idx %scatter3A_403[%add3A_402], %mul3A_307 {add = true} : memref<128xf32, #tpu.memory_space<vmem>>[vector<16xi32>], vector<16xf32>,
        %add3A_404 = arith.constant 640 : i32
        %add3A_405 = arith.addi %mul3A_65, %add3A_404 : i32
        %scatter3A_406 = tpu.memref_slice %arg5[%add3A_405] : memref<11264xf32, #tpu.memory_space<vmem>> -> memref<128xf32, #tpu.memory_space<vmem>>
        tpu.vector_store_idx %scatter3A_406[%add3A_364], %sub3A_343 {add = true} : memref<128xf32, #tpu.memory_space<vmem>>[vector<16xi32>], vector<16xf32>,
        %add3A_407 = arith.constant 1 : i32
        %add3A_408 = vector.broadcast %add3A_407 : i32 to vector<16xi32>
        %add3A_409 = arith.addi %add3A_364, %add3A_408 : vector<16xi32>
        %scatter3A_410 = tpu.memref_slice %arg5[%add3A_405] : memref<11264xf32, #tpu.memory_space<vmem>> -> memref<128xf32, #tpu.memory_space<vmem>>
        tpu.vector_store_idx %scatter3A_410[%add3A_409], %mul3A_310 {add = true} : memref<128xf32, #tpu.memory_space<vmem>>[vector<16xi32>], vector<16xf32>,
        %add3A_411 = arith.constant 768 : i32
        %add3A_412 = arith.addi %mul3A_65, %add3A_411 : i32
        %scatter3A_413 = tpu.memref_slice %arg5[%add3A_412] : memref<11264xf32, #tpu.memory_space<vmem>> -> memref<128xf32, #tpu.memory_space<vmem>>
        tpu.vector_store_idx %scatter3A_413[%add3A_365], %sub3A_346 {add = true} : memref<128xf32, #tpu.memory_space<vmem>>[vector<16xi32>], vector<16xf32>,
        %add3A_414 = arith.constant 1 : i32
        %add3A_415 = vector.broadcast %add3A_414 : i32 to vector<16xi32>
        %add3A_416 = arith.addi %add3A_365, %add3A_415 : vector<16xi32>
        %scatter3A_417 = tpu.memref_slice %arg5[%add3A_412] : memref<11264xf32, #tpu.memory_space<vmem>> -> memref<128xf32, #tpu.memory_space<vmem>>
        tpu.vector_store_idx %scatter3A_417[%add3A_416], %mul3A_313 {add = true} : memref<128xf32, #tpu.memory_space<vmem>>[vector<16xi32>], vector<16xf32>,
        %add3A_418 = arith.constant 896 : i32
        %add3A_419 = arith.addi %mul3A_65, %add3A_418 : i32
        %scatter3A_420 = tpu.memref_slice %arg5[%add3A_419] : memref<11264xf32, #tpu.memory_space<vmem>> -> memref<128xf32, #tpu.memory_space<vmem>>
        tpu.vector_store_idx %scatter3A_420[%add3A_366], %sub3A_349 {add = true} : memref<128xf32, #tpu.memory_space<vmem>>[vector<16xi32>], vector<16xf32>,
        %add3A_421 = arith.constant 1 : i32
        %add3A_422 = vector.broadcast %add3A_421 : i32 to vector<16xi32>
        %add3A_423 = arith.addi %add3A_366, %add3A_422 : vector<16xi32>
        %scatter3A_424 = tpu.memref_slice %arg5[%add3A_419] : memref<11264xf32, #tpu.memory_space<vmem>> -> memref<128xf32, #tpu.memory_space<vmem>>
        tpu.vector_store_idx %scatter3A_424[%add3A_423], %mul3A_316 {add = true} : memref<128xf32, #tpu.memory_space<vmem>>[vector<16xi32>], vector<16xf32>,
        %add3A_425 = arith.constant 1024 : i32
        %add3A_426 = arith.addi %mul3A_65, %add3A_425 : i32
        %scatter3A_427 = tpu.memref_slice %arg5[%add3A_426] : memref<11264xf32, #tpu.memory_space<vmem>> -> memref<128xf32, #tpu.memory_space<vmem>>
        tpu.vector_store_idx %scatter3A_427[%add3A_367], %sub3A_352 {add = true} : memref<128xf32, #tpu.memory_space<vmem>>[vector<16xi32>], vector<16xf32>,
        %add3A_428 = arith.constant 1 : i32
        %add3A_429 = vector.broadcast %add3A_428 : i32 to vector<16xi32>
        %add3A_430 = arith.addi %add3A_367, %add3A_429 : vector<16xi32>
        %scatter3A_431 = tpu.memref_slice %arg5[%add3A_426] : memref<11264xf32, #tpu.memory_space<vmem>> -> memref<128xf32, #tpu.memory_space<vmem>>
        tpu.vector_store_idx %scatter3A_431[%add3A_430], %mul3A_319 {add = true} : memref<128xf32, #tpu.memory_space<vmem>>[vector<16xi32>], vector<16xf32>,
        %add3A_432 = arith.constant 1152 : i32
        %add3A_433 = arith.addi %mul3A_65, %add3A_432 : i32
        %scatter3A_434 = tpu.memref_slice %arg5[%add3A_433] : memref<11264xf32, #tpu.memory_space<vmem>> -> memref<128xf32, #tpu.memory_space<vmem>>
        tpu.vector_store_idx %scatter3A_434[%add3A_368], %sub3A_355 {add = true} : memref<128xf32, #tpu.memory_space<vmem>>[vector<16xi32>], vector<16xf32>,
        %add3A_435 = arith.constant 1 : i32
        %add3A_436 = vector.broadcast %add3A_435 : i32 to vector<16xi32>
        %add3A_437 = arith.addi %add3A_368, %add3A_436 : vector<16xi32>
        %scatter3A_438 = tpu.memref_slice %arg5[%add3A_433] : memref<11264xf32, #tpu.memory_space<vmem>> -> memref<128xf32, #tpu.memory_space<vmem>>
        tpu.vector_store_idx %scatter3A_438[%add3A_437], %mul3A_322 {add = true} : memref<128xf32, #tpu.memory_space<vmem>>[vector<16xi32>], vector<16xf32>,
        %add3A_439 = arith.constant 1280 : i32
        %add3A_440 = arith.addi %mul3A_65, %add3A_439 : i32
        %scatter3A_441 = tpu.memref_slice %arg5[%add3A_440] : memref<11264xf32, #tpu.memory_space<vmem>> -> memref<128xf32, #tpu.memory_space<vmem>>
        tpu.vector_store_idx %scatter3A_441[%add3A_369], %sub3A_358 {add = true} : memref<128xf32, #tpu.memory_space<vmem>>[vector<16xi32>], vector<16xf32>,
        %add3A_442 = arith.constant 1 : i32
        %add3A_443 = vector.broadcast %add3A_442 : i32 to vector<16xi32>
        %add3A_444 = arith.addi %add3A_369, %add3A_443 : vector<16xi32>
        %scatter3A_445 = tpu.memref_slice %arg5[%add3A_440] : memref<11264xf32, #tpu.memory_space<vmem>> -> memref<128xf32, #tpu.memory_space<vmem>>
        tpu.vector_store_idx %scatter3A_445[%add3A_444], %mul3A_325 {add = true} : memref<128xf32, #tpu.memory_space<vmem>>[vector<16xi32>], vector<16xf32>,
        %get3A_446 = arith.index_cast %scan3A_61 : i32 to index
        %get3A_447 = arith.constant 176 : index
        %get3A_448 = tpu.vector_load %arg4[%get3A_446, %get3A_447] {strides = array<i32>} : memref<32x352xf32, #tpu.memory_space<vmem>>, vector<16xf32>,
        %get3A_449 = arith.index_cast %scan3A_61 : i32 to index
        %get3A_450 = arith.constant 192 : index
        %get3A_451 = tpu.vector_load %arg4[%get3A_449, %get3A_450] {strides = array<i32>} : memref<32x352xf32, #tpu.memory_space<vmem>>, vector<16xf32>,
        %get3A_452 = arith.index_cast %scan3A_61 : i32 to index
        %get3A_453 = arith.constant 208 : index
        %get3A_454 = tpu.vector_load %arg4[%get3A_452, %get3A_453] {strides = array<i32>} : memref<32x352xf32, #tpu.memory_space<vmem>>, vector<16xf32>,
        %get3A_455 = arith.index_cast %scan3A_61 : i32 to index
        %get3A_456 = arith.constant 224 : index
        %get3A_457 = tpu.vector_load %arg4[%get3A_455, %get3A_456] {strides = array<i32>} : memref<32x352xf32, #tpu.memory_space<vmem>>, vector<16xf32>,
        %get3A_458 = arith.index_cast %scan3A_61 : i32 to index
        %get3A_459 = arith.constant 240 : index
        %get3A_460 = tpu.vector_load %arg4[%get3A_458, %get3A_459] {strides = array<i32>} : memref<32x352xf32, #tpu.memory_space<vmem>>, vector<16xf32>,
        %get3A_461 = arith.index_cast %scan3A_61 : i32 to index
        %get3A_462 = arith.constant 256 : index
        %get3A_463 = tpu.vector_load %arg4[%get3A_461, %get3A_462] {strides = array<i32>} : memref<32x352xf32, #tpu.memory_space<vmem>>, vector<16xf32>,
        %get3A_464 = arith.index_cast %scan3A_61 : i32 to index
        %get3A_465 = arith.constant 272 : index
        %get3A_466 = tpu.vector_load %arg4[%get3A_464, %get3A_465] {strides = array<i32>} : memref<32x352xf32, #tpu.memory_space<vmem>>, vector<16xf32>,
        %get3A_467 = arith.index_cast %scan3A_61 : i32 to index
        %get3A_468 = arith.constant 288 : index
        %get3A_469 = tpu.vector_load %arg4[%get3A_467, %get3A_468] {strides = array<i32>} : memref<32x352xf32, #tpu.memory_space<vmem>>, vector<16xf32>,
        %get3A_470 = arith.index_cast %scan3A_61 : i32 to index
        %get3A_471 = arith.constant 304 : index
        %get3A_472 = tpu.vector_load %arg4[%get3A_470, %get3A_471] {strides = array<i32>} : memref<32x352xf32, #tpu.memory_space<vmem>>, vector<16xf32>,
        %get3A_473 = arith.index_cast %scan3A_61 : i32 to index
        %get3A_474 = arith.constant 320 : index
        %get3A_475 = tpu.vector_load %arg4[%get3A_473, %get3A_474] {strides = array<i32>} : memref<32x352xf32, #tpu.memory_space<vmem>>, vector<16xf32>,
        %get3A_476 = arith.index_cast %scan3A_61 : i32 to index
        %get3A_477 = arith.constant 336 : index
        %get3A_478 = tpu.vector_load %arg4[%get3A_476, %get3A_477] {strides = array<i32>} : memref<32x352xf32, #tpu.memory_space<vmem>>, vector<16xf32>,
        %mul3A_479 = arith.constant 6.46153831 : f32
        %mul3A_480 = vector.broadcast %mul3A_479 : f32 to vector<16xf32>
        %mul3A_481 = arith.mulf %get3A_448, %mul3A_480 : vector<16xf32>
        %add3A_482 = arith.constant -1.61538458 : f32
        %add3A_483 = vector.broadcast %add3A_482 : f32 to vector<16xf32>
        %add3A_484 = arith.addf %mul3A_481, %add3A_483 : vector<16xf32>
        %max3A_485 = arith.constant 0.000000e+00 : f32
        %max3A_486 = vector.broadcast %max3A_485 : f32 to vector<16xf32>
        %max3A_487 = arith.maximumf %add3A_484, %max3A_486 : vector<16xf32>
        %min3A_488 = arith.constant 6.300000e+01 : f32
        %min3A_489 = vector.broadcast %min3A_488 : f32 to vector<16xf32>
        %min3A_490 = arith.minimumf %max3A_487, %min3A_489 : vector<16xf32>
        %mul3A_491 = arith.constant 6.46153831 : f32
        %mul3A_492 = vector.broadcast %mul3A_491 : f32 to vector<16xf32>
        %mul3A_493 = arith.mulf %get3A_451, %mul3A_492 : vector<16xf32>
        %add3A_494 = arith.constant -1.61538458 : f32
        %add3A_495 = vector.broadcast %add3A_494 : f32 to vector<16xf32>
        %add3A_496 = arith.addf %mul3A_493, %add3A_495 : vector<16xf32>
        %max3A_497 = arith.constant 0.000000e+00 : f32
        %max3A_498 = vector.broadcast %max3A_497 : f32 to vector<16xf32>
        %max3A_499 = arith.maximumf %add3A_496, %max3A_498 : vector<16xf32>
        %min3A_500 = arith.constant 6.300000e+01 : f32
        %min3A_501 = vector.broadcast %min3A_500 : f32 to vector<16xf32>
        %min3A_502 = arith.minimumf %max3A_499, %min3A_501 : vector<16xf32>
        %mul3A_503 = arith.constant 6.46153831 : f32
        %mul3A_504 = vector.broadcast %mul3A_503 : f32 to vector<16xf32>
        %mul3A_505 = arith.mulf %get3A_454, %mul3A_504 : vector<16xf32>
        %add3A_506 = arith.constant -1.61538458 : f32
        %add3A_507 = vector.broadcast %add3A_506 : f32 to vector<16xf32>
        %add3A_508 = arith.addf %mul3A_505, %add3A_507 : vector<16xf32>
        %max3A_509 = arith.constant 0.000000e+00 : f32
        %max3A_510 = vector.broadcast %max3A_509 : f32 to vector<16xf32>
        %max3A_511 = arith.maximumf %add3A_508, %max3A_510 : vector<16xf32>
        %min3A_512 = arith.constant 6.300000e+01 : f32
        %min3A_513 = vector.broadcast %min3A_512 : f32 to vector<16xf32>
        %min3A_514 = arith.minimumf %max3A_511, %min3A_513 : vector<16xf32>
        %mul3A_515 = arith.constant 6.46153831 : f32
        %mul3A_516 = vector.broadcast %mul3A_515 : f32 to vector<16xf32>
        %mul3A_517 = arith.mulf %get3A_457, %mul3A_516 : vector<16xf32>
        %add3A_518 = arith.constant -1.61538458 : f32
        %add3A_519 = vector.broadcast %add3A_518 : f32 to vector<16xf32>
        %add3A_520 = arith.addf %mul3A_517, %add3A_519 : vector<16xf32>
        %max3A_521 = arith.constant 0.000000e+00 : f32
        %max3A_522 = vector.broadcast %max3A_521 : f32 to vector<16xf32>
        %max3A_523 = arith.maximumf %add3A_520, %max3A_522 : vector<16xf32>
        %min3A_524 = arith.constant 6.300000e+01 : f32
        %min3A_525 = vector.broadcast %min3A_524 : f32 to vector<16xf32>
        %min3A_526 = arith.minimumf %max3A_523, %min3A_525 : vector<16xf32>
        %mul3A_527 = arith.constant 6.46153831 : f32
        %mul3A_528 = vector.broadcast %mul3A_527 : f32 to vector<16xf32>
        %mul3A_529 = arith.mulf %get3A_460, %mul3A_528 : vector<16xf32>
        %add3A_530 = arith.constant -1.61538458 : f32
        %add3A_531 = vector.broadcast %add3A_530 : f32 to vector<16xf32>
        %add3A_532 = arith.addf %mul3A_529, %add3A_531 : vector<16xf32>
        %max3A_533 = arith.constant 0.000000e+00 : f32
        %max3A_534 = vector.broadcast %max3A_533 : f32 to vector<16xf32>
        %max3A_535 = arith.maximumf %add3A_532, %max3A_534 : vector<16xf32>
        %min3A_536 = arith.constant 6.300000e+01 : f32
        %min3A_537 = vector.broadcast %min3A_536 : f32 to vector<16xf32>
        %min3A_538 = arith.minimumf %max3A_535, %min3A_537 : vector<16xf32>
        %mul3A_539 = arith.constant 6.46153831 : f32
        %mul3A_540 = vector.broadcast %mul3A_539 : f32 to vector<16xf32>
        %mul3A_541 = arith.mulf %get3A_463, %mul3A_540 : vector<16xf32>
        %add3A_542 = arith.constant -1.61538458 : f32
        %add3A_543 = vector.broadcast %add3A_542 : f32 to vector<16xf32>
        %add3A_544 = arith.addf %mul3A_541, %add3A_543 : vector<16xf32>
        %max3A_545 = arith.constant 0.000000e+00 : f32
        %max3A_546 = vector.broadcast %max3A_545 : f32 to vector<16xf32>
        %max3A_547 = arith.maximumf %add3A_544, %max3A_546 : vector<16xf32>
        %min3A_548 = arith.constant 6.300000e+01 : f32
        %min3A_549 = vector.broadcast %min3A_548 : f32 to vector<16xf32>
        %min3A_550 = arith.minimumf %max3A_547, %min3A_549 : vector<16xf32>
        %mul3A_551 = arith.constant 6.46153831 : f32
        %mul3A_552 = vector.broadcast %mul3A_551 : f32 to vector<16xf32>
        %mul3A_553 = arith.mulf %get3A_466, %mul3A_552 : vector<16xf32>
        %add3A_554 = arith.constant -1.61538458 : f32
        %add3A_555 = vector.broadcast %add3A_554 : f32 to vector<16xf32>
        %add3A_556 = arith.addf %mul3A_553, %add3A_555 : vector<16xf32>
        %max3A_557 = arith.constant 0.000000e+00 : f32
        %max3A_558 = vector.broadcast %max3A_557 : f32 to vector<16xf32>
        %max3A_559 = arith.maximumf %add3A_556, %max3A_558 : vector<16xf32>
        %min3A_560 = arith.constant 6.300000e+01 : f32
        %min3A_561 = vector.broadcast %min3A_560 : f32 to vector<16xf32>
        %min3A_562 = arith.minimumf %max3A_559, %min3A_561 : vector<16xf32>
        %mul3A_563 = arith.constant 6.46153831 : f32
        %mul3A_564 = vector.broadcast %mul3A_563 : f32 to vector<16xf32>
        %mul3A_565 = arith.mulf %get3A_469, %mul3A_564 : vector<16xf32>
        %add3A_566 = arith.constant -1.61538458 : f32
        %add3A_567 = vector.broadcast %add3A_566 : f32 to vector<16xf32>
        %add3A_568 = arith.addf %mul3A_565, %add3A_567 : vector<16xf32>
        %max3A_569 = arith.constant 0.000000e+00 : f32
        %max3A_570 = vector.broadcast %max3A_569 : f32 to vector<16xf32>
        %max3A_571 = arith.maximumf %add3A_568, %max3A_570 : vector<16xf32>
        %min3A_572 = arith.constant 6.300000e+01 : f32
        %min3A_573 = vector.broadcast %min3A_572 : f32 to vector<16xf32>
        %min3A_574 = arith.minimumf %max3A_571, %min3A_573 : vector<16xf32>
        %mul3A_575 = arith.constant 6.46153831 : f32
        %mul3A_576 = vector.broadcast %mul3A_575 : f32 to vector<16xf32>
        %mul3A_577 = arith.mulf %get3A_472, %mul3A_576 : vector<16xf32>
        %add3A_578 = arith.constant -1.61538458 : f32
        %add3A_579 = vector.broadcast %add3A_578 : f32 to vector<16xf32>
        %add3A_580 = arith.addf %mul3A_577, %add3A_579 : vector<16xf32>
        %max3A_581 = arith.constant 0.000000e+00 : f32
        %max3A_582 = vector.broadcast %max3A_581 : f32 to vector<16xf32>
        %max3A_583 = arith.maximumf %add3A_580, %max3A_582 : vector<16xf32>
        %min3A_584 = arith.constant 6.300000e+01 : f32
        %min3A_585 = vector.broadcast %min3A_584 : f32 to vector<16xf32>
        %min3A_586 = arith.minimumf %max3A_583, %min3A_585 : vector<16xf32>
        %mul3A_587 = arith.constant 6.46153831 : f32
        %mul3A_588 = vector.broadcast %mul3A_587 : f32 to vector<16xf32>
        %mul3A_589 = arith.mulf %get3A_475, %mul3A_588 : vector<16xf32>
        %add3A_590 = arith.constant -1.61538458 : f32
        %add3A_591 = vector.broadcast %add3A_590 : f32 to vector<16xf32>
        %add3A_592 = arith.addf %mul3A_589, %add3A_591 : vector<16xf32>
        %max3A_593 = arith.constant 0.000000e+00 : f32
        %max3A_594 = vector.broadcast %max3A_593 : f32 to vector<16xf32>
        %max3A_595 = arith.maximumf %add3A_592, %max3A_594 : vector<16xf32>
        %min3A_596 = arith.constant 6.300000e+01 : f32
        %min3A_597 = vector.broadcast %min3A_596 : f32 to vector<16xf32>
        %min3A_598 = arith.minimumf %max3A_595, %min3A_597 : vector<16xf32>
        %mul3A_599 = arith.constant 6.46153831 : f32
        %mul3A_600 = vector.broadcast %mul3A_599 : f32 to vector<16xf32>
        %mul3A_601 = arith.mulf %get3A_478, %mul3A_600 : vector<16xf32>
        %add3A_602 = arith.constant -1.61538458 : f32
        %add3A_603 = vector.broadcast %add3A_602 : f32 to vector<16xf32>
        %add3A_604 = arith.addf %mul3A_601, %add3A_603 : vector<16xf32>
        %max3A_605 = arith.constant 0.000000e+00 : f32
        %max3A_606 = vector.broadcast %max3A_605 : f32 to vector<16xf32>
        %max3A_607 = arith.maximumf %add3A_604, %max3A_606 : vector<16xf32>
        %min3A_608 = arith.constant 6.300000e+01 : f32
        %min3A_609 = vector.broadcast %min3A_608 : f32 to vector<16xf32>
        %min3A_610 = arith.minimumf %max3A_607, %min3A_609 : vector<16xf32>
        %min3A_611 = arith.constant 6.250000e+01 : f32
        %min3A_612 = vector.broadcast %min3A_611 : f32 to vector<16xf32>
        %min3A_613 = arith.minimumf %min3A_490, %min3A_612 : vector<16xf32>
        %convert_element_type3A_614 = arith.fptosi %min3A_613 : vector<16xf32> to vector<16xi32>
        %min3A_615 = arith.constant 6.250000e+01 : f32
        %min3A_616 = vector.broadcast %min3A_615 : f32 to vector<16xf32>
        %min3A_617 = arith.minimumf %min3A_502, %min3A_616 : vector<16xf32>
        %convert_element_type3A_618 = arith.fptosi %min3A_617 : vector<16xf32> to vector<16xi32>
        %min3A_619 = arith.constant 6.250000e+01 : f32
        %min3A_620 = vector.broadcast %min3A_619 : f32 to vector<16xf32>
        %min3A_621 = arith.minimumf %min3A_514, %min3A_620 : vector<16xf32>
        %convert_element_type3A_622 = arith.fptosi %min3A_621 : vector<16xf32> to vector<16xi32>
        %min3A_623 = arith.constant 6.250000e+01 : f32
        %min3A_624 = vector.broadcast %min3A_623 : f32 to vector<16xf32>
        %min3A_625 = arith.minimumf %min3A_526, %min3A_624 : vector<16xf32>
        %convert_element_type3A_626 = arith.fptosi %min3A_625 : vector<16xf32> to vector<16xi32>
        %min3A_627 = arith.constant 6.250000e+01 : f32
        %min3A_628 = vector.broadcast %min3A_627 : f32 to vector<16xf32>
        %min3A_629 = arith.minimumf %min3A_538, %min3A_628 : vector<16xf32>
        %convert_element_type3A_630 = arith.fptosi %min3A_629 : vector<16xf32> to vector<16xi32>
        %min3A_631 = arith.constant 6.250000e+01 : f32
        %min3A_632 = vector.broadcast %min3A_631 : f32 to vector<16xf32>
        %min3A_633 = arith.minimumf %min3A_550, %min3A_632 : vector<16xf32>
        %convert_element_type3A_634 = arith.fptosi %min3A_633 : vector<16xf32> to vector<16xi32>
        %min3A_635 = arith.constant 6.250000e+01 : f32
        %min3A_636 = vector.broadcast %min3A_635 : f32 to vector<16xf32>
        %min3A_637 = arith.minimumf %min3A_562, %min3A_636 : vector<16xf32>
        %convert_element_type3A_638 = arith.fptosi %min3A_637 : vector<16xf32> to vector<16xi32>
        %min3A_639 = arith.constant 6.250000e+01 : f32
        %min3A_640 = vector.broadcast %min3A_639 : f32 to vector<16xf32>
        %min3A_641 = arith.minimumf %min3A_574, %min3A_640 : vector<16xf32>
        %convert_element_type3A_642 = arith.fptosi %min3A_641 : vector<16xf32> to vector<16xi32>
        %min3A_643 = arith.constant 6.250000e+01 : f32
        %min3A_644 = vector.broadcast %min3A_643 : f32 to vector<16xf32>
        %min3A_645 = arith.minimumf %min3A_586, %min3A_644 : vector<16xf32>
        %convert_element_type3A_646 = arith.fptosi %min3A_645 : vector<16xf32> to vector<16xi32>
        %min3A_647 = arith.constant 6.250000e+01 : f32
        %min3A_648 = vector.broadcast %min3A_647 : f32 to vector<16xf32>
        %min3A_649 = arith.minimumf %min3A_598, %min3A_648 : vector<16xf32>
        %convert_element_type3A_650 = arith.fptosi %min3A_649 : vector<16xf32> to vector<16xi32>
        %min3A_651 = arith.constant 6.250000e+01 : f32
        %min3A_652 = vector.broadcast %min3A_651 : f32 to vector<16xf32>
        %min3A_653 = arith.minimumf %min3A_610, %min3A_652 : vector<16xf32>
        %convert_element_type3A_654 = arith.fptosi %min3A_653 : vector<16xf32> to vector<16xi32>
        %convert_element_type3A_655 = arith.sitofp %convert_element_type3A_614 : vector<16xi32> to vector<16xf32>
        %sub3A_656 = arith.subf %min3A_490, %convert_element_type3A_655 : vector<16xf32>
        %convert_element_type3A_657 = arith.sitofp %convert_element_type3A_618 : vector<16xi32> to vector<16xf32>
        %sub3A_658 = arith.subf %min3A_502, %convert_element_type3A_657 : vector<16xf32>
        %convert_element_type3A_659 = arith.sitofp %convert_element_type3A_622 : vector<16xi32> to vector<16xf32>
        %sub3A_660 = arith.subf %min3A_514, %convert_element_type3A_659 : vector<16xf32>
        %convert_element_type3A_661 = arith.sitofp %convert_element_type3A_626 : vector<16xi32> to vector<16xf32>
        %sub3A_662 = arith.subf %min3A_526, %convert_element_type3A_661 : vector<16xf32>
        %convert_element_type3A_663 = arith.sitofp %convert_element_type3A_630 : vector<16xi32> to vector<16xf32>
        %sub3A_664 = arith.subf %min3A_538, %convert_element_type3A_663 : vector<16xf32>
        %convert_element_type3A_665 = arith.sitofp %convert_element_type3A_634 : vector<16xi32> to vector<16xf32>
        %sub3A_666 = arith.subf %min3A_550, %convert_element_type3A_665 : vector<16xf32>
        %convert_element_type3A_667 = arith.sitofp %convert_element_type3A_638 : vector<16xi32> to vector<16xf32>
        %sub3A_668 = arith.subf %min3A_562, %convert_element_type3A_667 : vector<16xf32>
        %convert_element_type3A_669 = arith.sitofp %convert_element_type3A_642 : vector<16xi32> to vector<16xf32>
        %sub3A_670 = arith.subf %min3A_574, %convert_element_type3A_669 : vector<16xf32>
        %convert_element_type3A_671 = arith.sitofp %convert_element_type3A_646 : vector<16xi32> to vector<16xf32>
        %sub3A_672 = arith.subf %min3A_586, %convert_element_type3A_671 : vector<16xf32>
        %convert_element_type3A_673 = arith.sitofp %convert_element_type3A_650 : vector<16xi32> to vector<16xf32>
        %sub3A_674 = arith.subf %min3A_598, %convert_element_type3A_673 : vector<16xf32>
        %convert_element_type3A_675 = arith.sitofp %convert_element_type3A_654 : vector<16xi32> to vector<16xf32>
        %sub3A_676 = arith.subf %min3A_610, %convert_element_type3A_675 : vector<16xf32>
        %mul3A_677 = arith.constant 1.562500e-02 : f32
        %mul3A_678 = vector.broadcast %mul3A_677 : f32 to vector<16xf32>
        %mul3A_679 = arith.mulf %sub3A_656, %mul3A_678 : vector<16xf32>
        %mul3A_680 = arith.constant 1.562500e-02 : f32
        %mul3A_681 = vector.broadcast %mul3A_680 : f32 to vector<16xf32>
        %mul3A_682 = arith.mulf %sub3A_658, %mul3A_681 : vector<16xf32>
        %mul3A_683 = arith.constant 1.562500e-02 : f32
        %mul3A_684 = vector.broadcast %mul3A_683 : f32 to vector<16xf32>
        %mul3A_685 = arith.mulf %sub3A_660, %mul3A_684 : vector<16xf32>
        %mul3A_686 = arith.constant 1.562500e-02 : f32
        %mul3A_687 = vector.broadcast %mul3A_686 : f32 to vector<16xf32>
        %mul3A_688 = arith.mulf %sub3A_662, %mul3A_687 : vector<16xf32>
        %mul3A_689 = arith.constant 1.562500e-02 : f32
        %mul3A_690 = vector.broadcast %mul3A_689 : f32 to vector<16xf32>
        %mul3A_691 = arith.mulf %sub3A_664, %mul3A_690 : vector<16xf32>
        %mul3A_692 = arith.constant 1.562500e-02 : f32
        %mul3A_693 = vector.broadcast %mul3A_692 : f32 to vector<16xf32>
        %mul3A_694 = arith.mulf %sub3A_666, %mul3A_693 : vector<16xf32>
        %mul3A_695 = arith.constant 1.562500e-02 : f32
        %mul3A_696 = vector.broadcast %mul3A_695 : f32 to vector<16xf32>
        %mul3A_697 = arith.mulf %sub3A_668, %mul3A_696 : vector<16xf32>
        %mul3A_698 = arith.constant 1.562500e-02 : f32
        %mul3A_699 = vector.broadcast %mul3A_698 : f32 to vector<16xf32>
        %mul3A_700 = arith.mulf %sub3A_670, %mul3A_699 : vector<16xf32>
        %mul3A_701 = arith.constant 1.562500e-02 : f32
        %mul3A_702 = vector.broadcast %mul3A_701 : f32 to vector<16xf32>
        %mul3A_703 = arith.mulf %sub3A_672, %mul3A_702 : vector<16xf32>
        %mul3A_704 = arith.constant 1.562500e-02 : f32
        %mul3A_705 = vector.broadcast %mul3A_704 : f32 to vector<16xf32>
        %mul3A_706 = arith.mulf %sub3A_674, %mul3A_705 : vector<16xf32>
        %mul3A_707 = arith.constant 1.562500e-02 : f32
        %mul3A_708 = vector.broadcast %mul3A_707 : f32 to vector<16xf32>
        %mul3A_709 = arith.mulf %sub3A_676, %mul3A_708 : vector<16xf32>
        %sub3A_710 = arith.constant 1.562500e-02 : f32
        %sub3A_711 = vector.broadcast %sub3A_710 : f32 to vector<16xf32>
        %sub3A_712 = arith.subf %sub3A_711, %mul3A_679 : vector<16xf32>
        %sub3A_713 = arith.constant 1.562500e-02 : f32
        %sub3A_714 = vector.broadcast %sub3A_713 : f32 to vector<16xf32>
        %sub3A_715 = arith.subf %sub3A_714, %mul3A_682 : vector<16xf32>
        %sub3A_716 = arith.constant 1.562500e-02 : f32
        %sub3A_717 = vector.broadcast %sub3A_716 : f32 to vector<16xf32>
        %sub3A_718 = arith.subf %sub3A_717, %mul3A_685 : vector<16xf32>
        %sub3A_719 = arith.constant 1.562500e-02 : f32
        %sub3A_720 = vector.broadcast %sub3A_719 : f32 to vector<16xf32>
        %sub3A_721 = arith.subf %sub3A_720, %mul3A_688 : vector<16xf32>
        %sub3A_722 = arith.constant 1.562500e-02 : f32
        %sub3A_723 = vector.broadcast %sub3A_722 : f32 to vector<16xf32>
        %sub3A_724 = arith.subf %sub3A_723, %mul3A_691 : vector<16xf32>
        %sub3A_725 = arith.constant 1.562500e-02 : f32
        %sub3A_726 = vector.broadcast %sub3A_725 : f32 to vector<16xf32>
        %sub3A_727 = arith.subf %sub3A_726, %mul3A_694 : vector<16xf32>
        %sub3A_728 = arith.constant 1.562500e-02 : f32
        %sub3A_729 = vector.broadcast %sub3A_728 : f32 to vector<16xf32>
        %sub3A_730 = arith.subf %sub3A_729, %mul3A_697 : vector<16xf32>
        %sub3A_731 = arith.constant 1.562500e-02 : f32
        %sub3A_732 = vector.broadcast %sub3A_731 : f32 to vector<16xf32>
        %sub3A_733 = arith.subf %sub3A_732, %mul3A_700 : vector<16xf32>
        %sub3A_734 = arith.constant 1.562500e-02 : f32
        %sub3A_735 = vector.broadcast %sub3A_734 : f32 to vector<16xf32>
        %sub3A_736 = arith.subf %sub3A_735, %mul3A_703 : vector<16xf32>
        %sub3A_737 = arith.constant 1.562500e-02 : f32
        %sub3A_738 = vector.broadcast %sub3A_737 : f32 to vector<16xf32>
        %sub3A_739 = arith.subf %sub3A_738, %mul3A_706 : vector<16xf32>
        %sub3A_740 = arith.constant 1.562500e-02 : f32
        %sub3A_741 = vector.broadcast %sub3A_740 : f32 to vector<16xf32>
        %sub3A_742 = arith.subf %sub3A_741, %mul3A_709 : vector<16xf32>
        %add3A_743 = arith.addi %shift_left3A_23, %convert_element_type3A_614 : vector<16xi32>
        %add3A_744 = arith.addi %shift_left3A_23, %convert_element_type3A_618 : vector<16xi32>
        %add3A_745 = arith.addi %shift_left3A_23, %convert_element_type3A_622 : vector<16xi32>
        %add3A_746 = arith.addi %shift_left3A_23, %convert_element_type3A_626 : vector<16xi32>
        %add3A_747 = arith.addi %shift_left3A_23, %convert_element_type3A_630 : vector<16xi32>
        %add3A_748 = arith.addi %shift_left3A_23, %convert_element_type3A_634 : vector<16xi32>
        %add3A_749 = arith.addi %shift_left3A_23, %convert_element_type3A_638 : vector<16xi32>
        %add3A_750 = arith.addi %shift_left3A_23, %convert_element_type3A_642 : vector<16xi32>
        %add3A_751 = arith.addi %shift_left3A_23, %convert_element_type3A_646 : vector<16xi32>
        %add3A_752 = arith.addi %shift_left3A_23, %convert_element_type3A_650 : vector<16xi32>
        %add3A_753 = arith.addi %shift_left3A_23, %convert_element_type3A_654 : vector<16xi32>
        %add3A_754 = arith.constant 1408 : i32
        %add3A_755 = arith.addi %mul3A_65, %add3A_754 : i32
        %scatter3A_756 = tpu.memref_slice %arg5[%add3A_755] : memref<11264xf32, #tpu.memory_space<vmem>> -> memref<128xf32, #tpu.memory_space<vmem>>
        tpu.vector_store_idx %scatter3A_756[%add3A_743], %sub3A_712 {add = true} : memref<128xf32, #tpu.memory_space<vmem>>[vector<16xi32>], vector<16xf32>,
        %add3A_757 = arith.constant 1 : i32
        %add3A_758 = vector.broadcast %add3A_757 : i32 to vector<16xi32>
        %add3A_759 = arith.addi %add3A_743, %add3A_758 : vector<16xi32>
        %scatter3A_760 = tpu.memref_slice %arg5[%add3A_755] : memref<11264xf32, #tpu.memory_space<vmem>> -> memref<128xf32, #tpu.memory_space<vmem>>
        tpu.vector_store_idx %scatter3A_760[%add3A_759], %mul3A_679 {add = true} : memref<128xf32, #tpu.memory_space<vmem>>[vector<16xi32>], vector<16xf32>,
        %add3A_761 = arith.constant 1536 : i32
        %add3A_762 = arith.addi %mul3A_65, %add3A_761 : i32
        %scatter3A_763 = tpu.memref_slice %arg5[%add3A_762] : memref<11264xf32, #tpu.memory_space<vmem>> -> memref<128xf32, #tpu.memory_space<vmem>>
        tpu.vector_store_idx %scatter3A_763[%add3A_744], %sub3A_715 {add = true} : memref<128xf32, #tpu.memory_space<vmem>>[vector<16xi32>], vector<16xf32>,
        %add3A_764 = arith.constant 1 : i32
        %add3A_765 = vector.broadcast %add3A_764 : i32 to vector<16xi32>
        %add3A_766 = arith.addi %add3A_744, %add3A_765 : vector<16xi32>
        %scatter3A_767 = tpu.memref_slice %arg5[%add3A_762] : memref<11264xf32, #tpu.memory_space<vmem>> -> memref<128xf32, #tpu.memory_space<vmem>>
        tpu.vector_store_idx %scatter3A_767[%add3A_766], %mul3A_682 {add = true} : memref<128xf32, #tpu.memory_space<vmem>>[vector<16xi32>], vector<16xf32>,
        %add3A_768 = arith.constant 1664 : i32
        %add3A_769 = arith.addi %mul3A_65, %add3A_768 : i32
        %scatter3A_770 = tpu.memref_slice %arg5[%add3A_769] : memref<11264xf32, #tpu.memory_space<vmem>> -> memref<128xf32, #tpu.memory_space<vmem>>
        tpu.vector_store_idx %scatter3A_770[%add3A_745], %sub3A_718 {add = true} : memref<128xf32, #tpu.memory_space<vmem>>[vector<16xi32>], vector<16xf32>,
        %add3A_771 = arith.constant 1 : i32
        %add3A_772 = vector.broadcast %add3A_771 : i32 to vector<16xi32>
        %add3A_773 = arith.addi %add3A_745, %add3A_772 : vector<16xi32>
        %scatter3A_774 = tpu.memref_slice %arg5[%add3A_769] : memref<11264xf32, #tpu.memory_space<vmem>> -> memref<128xf32, #tpu.memory_space<vmem>>
        tpu.vector_store_idx %scatter3A_774[%add3A_773], %mul3A_685 {add = true} : memref<128xf32, #tpu.memory_space<vmem>>[vector<16xi32>], vector<16xf32>,
        %add3A_775 = arith.constant 1792 : i32
        %add3A_776 = arith.addi %mul3A_65, %add3A_775 : i32
        %scatter3A_777 = tpu.memref_slice %arg5[%add3A_776] : memref<11264xf32, #tpu.memory_space<vmem>> -> memref<128xf32, #tpu.memory_space<vmem>>
        tpu.vector_store_idx %scatter3A_777[%add3A_746], %sub3A_721 {add = true} : memref<128xf32, #tpu.memory_space<vmem>>[vector<16xi32>], vector<16xf32>,
        %add3A_778 = arith.constant 1 : i32
        %add3A_779 = vector.broadcast %add3A_778 : i32 to vector<16xi32>
        %add3A_780 = arith.addi %add3A_746, %add3A_779 : vector<16xi32>
        %scatter3A_781 = tpu.memref_slice %arg5[%add3A_776] : memref<11264xf32, #tpu.memory_space<vmem>> -> memref<128xf32, #tpu.memory_space<vmem>>
        tpu.vector_store_idx %scatter3A_781[%add3A_780], %mul3A_688 {add = true} : memref<128xf32, #tpu.memory_space<vmem>>[vector<16xi32>], vector<16xf32>,
        %add3A_782 = arith.constant 1920 : i32
        %add3A_783 = arith.addi %mul3A_65, %add3A_782 : i32
        %scatter3A_784 = tpu.memref_slice %arg5[%add3A_783] : memref<11264xf32, #tpu.memory_space<vmem>> -> memref<128xf32, #tpu.memory_space<vmem>>
        tpu.vector_store_idx %scatter3A_784[%add3A_747], %sub3A_724 {add = true} : memref<128xf32, #tpu.memory_space<vmem>>[vector<16xi32>], vector<16xf32>,
        %add3A_785 = arith.constant 1 : i32
        %add3A_786 = vector.broadcast %add3A_785 : i32 to vector<16xi32>
        %add3A_787 = arith.addi %add3A_747, %add3A_786 : vector<16xi32>
        %scatter3A_788 = tpu.memref_slice %arg5[%add3A_783] : memref<11264xf32, #tpu.memory_space<vmem>> -> memref<128xf32, #tpu.memory_space<vmem>>
        tpu.vector_store_idx %scatter3A_788[%add3A_787], %mul3A_691 {add = true} : memref<128xf32, #tpu.memory_space<vmem>>[vector<16xi32>], vector<16xf32>,
        %add3A_789 = arith.constant 2048 : i32
        %add3A_790 = arith.addi %mul3A_65, %add3A_789 : i32
        %scatter3A_791 = tpu.memref_slice %arg5[%add3A_790] : memref<11264xf32, #tpu.memory_space<vmem>> -> memref<128xf32, #tpu.memory_space<vmem>>
        tpu.vector_store_idx %scatter3A_791[%add3A_748], %sub3A_727 {add = true} : memref<128xf32, #tpu.memory_space<vmem>>[vector<16xi32>], vector<16xf32>,
        %add3A_792 = arith.constant 1 : i32
        %add3A_793 = vector.broadcast %add3A_792 : i32 to vector<16xi32>
        %add3A_794 = arith.addi %add3A_748, %add3A_793 : vector<16xi32>
        %scatter3A_795 = tpu.memref_slice %arg5[%add3A_790] : memref<11264xf32, #tpu.memory_space<vmem>> -> memref<128xf32, #tpu.memory_space<vmem>>
        tpu.vector_store_idx %scatter3A_795[%add3A_794], %mul3A_694 {add = true} : memref<128xf32, #tpu.memory_space<vmem>>[vector<16xi32>], vector<16xf32>,
        %add3A_796 = arith.constant 2176 : i32
        %add3A_797 = arith.addi %mul3A_65, %add3A_796 : i32
        %scatter3A_798 = tpu.memref_slice %arg5[%add3A_797] : memref<11264xf32, #tpu.memory_space<vmem>> -> memref<128xf32, #tpu.memory_space<vmem>>
        tpu.vector_store_idx %scatter3A_798[%add3A_749], %sub3A_730 {add = true} : memref<128xf32, #tpu.memory_space<vmem>>[vector<16xi32>], vector<16xf32>,
        %add3A_799 = arith.constant 1 : i32
        %add3A_800 = vector.broadcast %add3A_799 : i32 to vector<16xi32>
        %add3A_801 = arith.addi %add3A_749, %add3A_800 : vector<16xi32>
        %scatter3A_802 = tpu.memref_slice %arg5[%add3A_797] : memref<11264xf32, #tpu.memory_space<vmem>> -> memref<128xf32, #tpu.memory_space<vmem>>
        tpu.vector_store_idx %scatter3A_802[%add3A_801], %mul3A_697 {add = true} : memref<128xf32, #tpu.memory_space<vmem>>[vector<16xi32>], vector<16xf32>,
        %add3A_803 = arith.constant 2304 : i32
        %add3A_804 = arith.addi %mul3A_65, %add3A_803 : i32
        %scatter3A_805 = tpu.memref_slice %arg5[%add3A_804] : memref<11264xf32, #tpu.memory_space<vmem>> -> memref<128xf32, #tpu.memory_space<vmem>>
        tpu.vector_store_idx %scatter3A_805[%add3A_750], %sub3A_733 {add = true} : memref<128xf32, #tpu.memory_space<vmem>>[vector<16xi32>], vector<16xf32>,
        %add3A_806 = arith.constant 1 : i32
        %add3A_807 = vector.broadcast %add3A_806 : i32 to vector<16xi32>
        %add3A_808 = arith.addi %add3A_750, %add3A_807 : vector<16xi32>
        %scatter3A_809 = tpu.memref_slice %arg5[%add3A_804] : memref<11264xf32, #tpu.memory_space<vmem>> -> memref<128xf32, #tpu.memory_space<vmem>>
        tpu.vector_store_idx %scatter3A_809[%add3A_808], %mul3A_700 {add = true} : memref<128xf32, #tpu.memory_space<vmem>>[vector<16xi32>], vector<16xf32>,
        %add3A_810 = arith.constant 2432 : i32
        %add3A_811 = arith.addi %mul3A_65, %add3A_810 : i32
        %scatter3A_812 = tpu.memref_slice %arg5[%add3A_811] : memref<11264xf32, #tpu.memory_space<vmem>> -> memref<128xf32, #tpu.memory_space<vmem>>
        tpu.vector_store_idx %scatter3A_812[%add3A_751], %sub3A_736 {add = true} : memref<128xf32, #tpu.memory_space<vmem>>[vector<16xi32>], vector<16xf32>,
        %add3A_813 = arith.constant 1 : i32
        %add3A_814 = vector.broadcast %add3A_813 : i32 to vector<16xi32>
        %add3A_815 = arith.addi %add3A_751, %add3A_814 : vector<16xi32>
        %scatter3A_816 = tpu.memref_slice %arg5[%add3A_811] : memref<11264xf32, #tpu.memory_space<vmem>> -> memref<128xf32, #tpu.memory_space<vmem>>
        tpu.vector_store_idx %scatter3A_816[%add3A_815], %mul3A_703 {add = true} : memref<128xf32, #tpu.memory_space<vmem>>[vector<16xi32>], vector<16xf32>,
        %add3A_817 = arith.constant 2560 : i32
        %add3A_818 = arith.addi %mul3A_65, %add3A_817 : i32
        %scatter3A_819 = tpu.memref_slice %arg5[%add3A_818] : memref<11264xf32, #tpu.memory_space<vmem>> -> memref<128xf32, #tpu.memory_space<vmem>>
        tpu.vector_store_idx %scatter3A_819[%add3A_752], %sub3A_739 {add = true} : memref<128xf32, #tpu.memory_space<vmem>>[vector<16xi32>], vector<16xf32>,
        %add3A_820 = arith.constant 1 : i32
        %add3A_821 = vector.broadcast %add3A_820 : i32 to vector<16xi32>
        %add3A_822 = arith.addi %add3A_752, %add3A_821 : vector<16xi32>
        %scatter3A_823 = tpu.memref_slice %arg5[%add3A_818] : memref<11264xf32, #tpu.memory_space<vmem>> -> memref<128xf32, #tpu.memory_space<vmem>>
        tpu.vector_store_idx %scatter3A_823[%add3A_822], %mul3A_706 {add = true} : memref<128xf32, #tpu.memory_space<vmem>>[vector<16xi32>], vector<16xf32>,
        %add3A_824 = arith.constant 2688 : i32
        %add3A_825 = arith.addi %mul3A_65, %add3A_824 : i32
        %scatter3A_826 = tpu.memref_slice %arg5[%add3A_825] : memref<11264xf32, #tpu.memory_space<vmem>> -> memref<128xf32, #tpu.memory_space<vmem>>
        tpu.vector_store_idx %scatter3A_826[%add3A_753], %sub3A_742 {add = true} : memref<128xf32, #tpu.memory_space<vmem>>[vector<16xi32>], vector<16xf32>,
        %add3A_827 = arith.constant 1 : i32
        %add3A_828 = vector.broadcast %add3A_827 : i32 to vector<16xi32>
        %add3A_829 = arith.addi %add3A_753, %add3A_828 : vector<16xi32>
        %scatter3A_830 = tpu.memref_slice %arg5[%add3A_825] : memref<11264xf32, #tpu.memory_space<vmem>> -> memref<128xf32, #tpu.memory_space<vmem>>
        tpu.vector_store_idx %scatter3A_830[%add3A_829], %mul3A_709 {add = true} : memref<128xf32, #tpu.memory_space<vmem>>[vector<16xi32>], vector<16xf32>,
      }
      %scan3A_35 = arith.constant 32 : i32
      %mul3A_36 = arith.constant 59136 : i32
      %mul3A_37 = arith.muli %shift_right_arithmetic3A_3, %mul3A_36 : i32
      %mul3A_38 = arith.constant 11264 : i32
      %mul3A_39 = arith.muli %and3A_4, %mul3A_38 : i32
      %add3A_40 = arith.addi %mul3A_37, %mul3A_39 : i32
      "tpu.region"() ({
        %run_scoped3A = tpu.sem_alloc : memref<!tpu.dma_semaphore, #tpu.memory_space<semaphore_mem>>
        %dma_start3A_61 = tpu.memref_slice %arg3[%add3A_40] : memref<354816xf32, #tpu.memory_space<hbm>> -> memref<11264xf32, #tpu.memory_space<hbm>>
        %dma_start3A_62 = tpu.memref_slice %arg3[%add3A_40] : memref<354816xf32, #tpu.memory_space<hbm>> -> memref<11264xf32, #tpu.memory_space<hbm>>
        tpu.enqueue_dma source(%arg5 : memref<11264xf32, #tpu.memory_space<vmem>>) target(%dma_start3A_62 : memref<11264xf32, #tpu.memory_space<hbm>>) target_semaphore(%run_scoped3A : memref<!tpu.dma_semaphore, #tpu.memory_space<semaphore_mem>>)
        %dma_wait3A_63 = tpu.memref_slice %arg3[%add3A_40] : memref<354816xf32, #tpu.memory_space<hbm>> -> memref<11264xf32, #tpu.memory_space<hbm>>
        %dma_wait3A_64 = tpu.memref_slice %arg3[%add3A_40] : memref<354816xf32, #tpu.memory_space<hbm>> -> memref<11264xf32, #tpu.memory_space<hbm>>
        tpu.wait_dma2 semaphore(%run_scoped3A : memref<!tpu.dma_semaphore, #tpu.memory_space<semaphore_mem>>) src(%arg5 : memref<11264xf32, #tpu.memory_space<vmem>>) dst(%dma_wait3A_64 : memref<11264xf32, #tpu.memory_space<hbm>>)
        tpu.yield
      }) : () -> ()
      %scan3A_41 = arith.constant 0 : i32
      %scan3A_42 = arith.constant 22 : i32
      %scan3A_43 = arith.addi %scan3A_41, %scan3A_42 : i32
      %scan3A_44 = arith.constant 1 : i32
      scf.for %scan3A_61 = %scan3A_41 to %scan3A_43 step %scan3A_44  : i32 {
        %mul3A_62 = arith.constant 128 : i32
        %mul3A_63 = arith.muli %scan3A_61, %mul3A_62 : i32
        %add3A_64 = arith.constant 0 : i32
        %add3A_65 = arith.addi %add3A_64, %mul3A_63 : i32
        %add3A_66 = arith.constant 0 : i32
        %add3A_67 = arith.addi %add3A_65, %add3A_66 : i32
        %add3A_68 = arith.constant 2816 : i32
        %add3A_69 = arith.addi %add3A_68, %mul3A_63 : i32
        %add3A_70 = arith.constant 0 : i32
        %add3A_71 = arith.addi %add3A_69, %add3A_70 : i32
        %add3A_72 = arith.constant 0 : i32
        %add3A_73 = arith.addi %add3A_72, %mul3A_63 : i32
        %add3A_74 = arith.constant 16 : i32
        %add3A_75 = arith.addi %add3A_73, %add3A_74 : i32
        %add3A_76 = arith.constant 2816 : i32
        %add3A_77 = arith.addi %add3A_76, %mul3A_63 : i32
        %add3A_78 = arith.constant 16 : i32
        %add3A_79 = arith.addi %add3A_77, %add3A_78 : i32
        %add3A_80 = arith.constant 0 : i32
        %add3A_81 = arith.addi %add3A_80, %mul3A_63 : i32
        %add3A_82 = arith.constant 32 : i32
        %add3A_83 = arith.addi %add3A_81, %add3A_82 : i32
        %add3A_84 = arith.constant 2816 : i32
        %add3A_85 = arith.addi %add3A_84, %mul3A_63 : i32
        %add3A_86 = arith.constant 32 : i32
        %add3A_87 = arith.addi %add3A_85, %add3A_86 : i32
        %add3A_88 = arith.constant 0 : i32
        %add3A_89 = arith.addi %add3A_88, %mul3A_63 : i32
        %add3A_90 = arith.constant 48 : i32
        %add3A_91 = arith.addi %add3A_89, %add3A_90 : i32
        %add3A_92 = arith.constant 2816 : i32
        %add3A_93 = arith.addi %add3A_92, %mul3A_63 : i32
        %add3A_94 = arith.constant 48 : i32
        %add3A_95 = arith.addi %add3A_93, %add3A_94 : i32
        %add3A_96 = arith.constant 5632 : i32
        %add3A_97 = arith.addi %add3A_96, %mul3A_63 : i32
        %add3A_98 = arith.constant 0 : i32
        %add3A_99 = arith.addi %add3A_97, %add3A_98 : i32
        %add3A_100 = arith.constant 8448 : i32
        %add3A_101 = arith.addi %add3A_100, %mul3A_63 : i32
        %add3A_102 = arith.constant 0 : i32
        %add3A_103 = arith.addi %add3A_101, %add3A_102 : i32
        %add3A_104 = arith.constant 5632 : i32
        %add3A_105 = arith.addi %add3A_104, %mul3A_63 : i32
        %add3A_106 = arith.constant 16 : i32
        %add3A_107 = arith.addi %add3A_105, %add3A_106 : i32
        %add3A_108 = arith.constant 8448 : i32
        %add3A_109 = arith.addi %add3A_108, %mul3A_63 : i32
        %add3A_110 = arith.constant 16 : i32
        %add3A_111 = arith.addi %add3A_109, %add3A_110 : i32
        %add3A_112 = arith.constant 5632 : i32
        %add3A_113 = arith.addi %add3A_112, %mul3A_63 : i32
        %add3A_114 = arith.constant 32 : i32
        %add3A_115 = arith.addi %add3A_113, %add3A_114 : i32
        %add3A_116 = arith.constant 8448 : i32
        %add3A_117 = arith.addi %add3A_116, %mul3A_63 : i32
        %add3A_118 = arith.constant 32 : i32
        %add3A_119 = arith.addi %add3A_117, %add3A_118 : i32
        %add3A_120 = arith.constant 5632 : i32
        %add3A_121 = arith.addi %add3A_120, %mul3A_63 : i32
        %add3A_122 = arith.constant 48 : i32
        %add3A_123 = arith.addi %add3A_121, %add3A_122 : i32
        %add3A_124 = arith.constant 8448 : i32
        %add3A_125 = arith.addi %add3A_124, %mul3A_63 : i32
        %add3A_126 = arith.constant 48 : i32
        %add3A_127 = arith.addi %add3A_125, %add3A_126 : i32
        %get3A = arith.index_cast %add3A_67 : i32 to index
        %get3A_128 = tpu.vector_load %arg5[%get3A] {strides = array<i32>} : memref<11264xf32, #tpu.memory_space<vmem>>, vector<16xf32>,
        %add3A_129 = arith.constant 64 : i32
        %add3A_130 = arith.addi %add3A_67, %add3A_129 : i32
        %get3A_131 = arith.index_cast %add3A_130 : i32 to index
        %get3A_132 = tpu.vector_load %arg5[%get3A_131] {strides = array<i32>} : memref<11264xf32, #tpu.memory_space<vmem>>, vector<16xf32>,
        %get3A_133 = arith.index_cast %add3A_71 : i32 to index
        %get3A_134 = tpu.vector_load %arg5[%get3A_133] {strides = array<i32>} : memref<11264xf32, #tpu.memory_space<vmem>>, vector<16xf32>,
        %add3A_135 = arith.constant 64 : i32
        %add3A_136 = arith.addi %add3A_71, %add3A_135 : i32
        %get3A_137 = arith.index_cast %add3A_136 : i32 to index
        %get3A_138 = tpu.vector_load %arg5[%get3A_137] {strides = array<i32>} : memref<11264xf32, #tpu.memory_space<vmem>>, vector<16xf32>,
        %get3A_139 = arith.index_cast %add3A_75 : i32 to index
        %get3A_140 = tpu.vector_load %arg5[%get3A_139] {strides = array<i32>} : memref<11264xf32, #tpu.memory_space<vmem>>, vector<16xf32>,
        %add3A_141 = arith.constant 64 : i32
        %add3A_142 = arith.addi %add3A_75, %add3A_141 : i32
        %get3A_143 = arith.index_cast %add3A_142 : i32 to index
        %get3A_144 = tpu.vector_load %arg5[%get3A_143] {strides = array<i32>} : memref<11264xf32, #tpu.memory_space<vmem>>, vector<16xf32>,
        %get3A_145 = arith.index_cast %add3A_79 : i32 to index
        %get3A_146 = tpu.vector_load %arg5[%get3A_145] {strides = array<i32>} : memref<11264xf32, #tpu.memory_space<vmem>>, vector<16xf32>,
        %add3A_147 = arith.constant 64 : i32
        %add3A_148 = arith.addi %add3A_79, %add3A_147 : i32
        %get3A_149 = arith.index_cast %add3A_148 : i32 to index
        %get3A_150 = tpu.vector_load %arg5[%get3A_149] {strides = array<i32>} : memref<11264xf32, #tpu.memory_space<vmem>>, vector<16xf32>,
        %get3A_151 = arith.index_cast %add3A_83 : i32 to index
        %get3A_152 = tpu.vector_load %arg5[%get3A_151] {strides = array<i32>} : memref<11264xf32, #tpu.memory_space<vmem>>, vector<16xf32>,
        %add3A_153 = arith.constant 64 : i32
        %add3A_154 = arith.addi %add3A_83, %add3A_153 : i32
        %get3A_155 = arith.index_cast %add3A_154 : i32 to index
        %get3A_156 = tpu.vector_load %arg5[%get3A_155] {strides = array<i32>} : memref<11264xf32, #tpu.memory_space<vmem>>, vector<16xf32>,
        %get3A_157 = arith.index_cast %add3A_87 : i32 to index
        %get3A_158 = tpu.vector_load %arg5[%get3A_157] {strides = array<i32>} : memref<11264xf32, #tpu.memory_space<vmem>>, vector<16xf32>,
        %add3A_159 = arith.constant 64 : i32
        %add3A_160 = arith.addi %add3A_87, %add3A_159 : i32
        %get3A_161 = arith.index_cast %add3A_160 : i32 to index
        %get3A_162 = tpu.vector_load %arg5[%get3A_161] {strides = array<i32>} : memref<11264xf32, #tpu.memory_space<vmem>>, vector<16xf32>,
        %get3A_163 = arith.index_cast %add3A_91 : i32 to index
        %get3A_164 = tpu.vector_load %arg5[%get3A_163] {strides = array<i32>} : memref<11264xf32, #tpu.memory_space<vmem>>, vector<16xf32>,
        %add3A_165 = arith.constant 64 : i32
        %add3A_166 = arith.addi %add3A_91, %add3A_165 : i32
        %get3A_167 = arith.index_cast %add3A_166 : i32 to index
        %get3A_168 = tpu.vector_load %arg5[%get3A_167] {strides = array<i32>} : memref<11264xf32, #tpu.memory_space<vmem>>, vector<16xf32>,
        %get3A_169 = arith.index_cast %add3A_95 : i32 to index
        %get3A_170 = tpu.vector_load %arg5[%get3A_169] {strides = array<i32>} : memref<11264xf32, #tpu.memory_space<vmem>>, vector<16xf32>,
        %add3A_171 = arith.constant 64 : i32
        %add3A_172 = arith.addi %add3A_95, %add3A_171 : i32
        %get3A_173 = arith.index_cast %add3A_172 : i32 to index
        %get3A_174 = tpu.vector_load %arg5[%get3A_173] {strides = array<i32>} : memref<11264xf32, #tpu.memory_space<vmem>>, vector<16xf32>,
        %get3A_175 = arith.index_cast %add3A_99 : i32 to index
        %get3A_176 = tpu.vector_load %arg5[%get3A_175] {strides = array<i32>} : memref<11264xf32, #tpu.memory_space<vmem>>, vector<16xf32>,
        %add3A_177 = arith.constant 64 : i32
        %add3A_178 = arith.addi %add3A_99, %add3A_177 : i32
        %get3A_179 = arith.index_cast %add3A_178 : i32 to index
        %get3A_180 = tpu.vector_load %arg5[%get3A_179] {strides = array<i32>} : memref<11264xf32, #tpu.memory_space<vmem>>, vector<16xf32>,
        %get3A_181 = arith.index_cast %add3A_103 : i32 to index
        %get3A_182 = tpu.vector_load %arg5[%get3A_181] {strides = array<i32>} : memref<11264xf32, #tpu.memory_space<vmem>>, vector<16xf32>,
        %add3A_183 = arith.constant 64 : i32
        %add3A_184 = arith.addi %add3A_103, %add3A_183 : i32
        %get3A_185 = arith.index_cast %add3A_184 : i32 to index
        %get3A_186 = tpu.vector_load %arg5[%get3A_185] {strides = array<i32>} : memref<11264xf32, #tpu.memory_space<vmem>>, vector<16xf32>,
        %get3A_187 = arith.index_cast %add3A_107 : i32 to index
        %get3A_188 = tpu.vector_load %arg5[%get3A_187] {strides = array<i32>} : memref<11264xf32, #tpu.memory_space<vmem>>, vector<16xf32>,
        %add3A_189 = arith.constant 64 : i32
        %add3A_190 = arith.addi %add3A_107, %add3A_189 : i32
        %get3A_191 = arith.index_cast %add3A_190 : i32 to index
        %get3A_192 = tpu.vector_load %arg5[%get3A_191] {strides = array<i32>} : memref<11264xf32, #tpu.memory_space<vmem>>, vector<16xf32>,
        %get3A_193 = arith.index_cast %add3A_111 : i32 to index
        %get3A_194 = tpu.vector_load %arg5[%get3A_193] {strides = array<i32>} : memref<11264xf32, #tpu.memory_space<vmem>>, vector<16xf32>,
        %add3A_195 = arith.constant 64 : i32
        %add3A_196 = arith.addi %add3A_111, %add3A_195 : i32
        %get3A_197 = arith.index_cast %add3A_196 : i32 to index
        %get3A_198 = tpu.vector_load %arg5[%get3A_197] {strides = array<i32>} : memref<11264xf32, #tpu.memory_space<vmem>>, vector<16xf32>,
        %get3A_199 = arith.index_cast %add3A_115 : i32 to index
        %get3A_200 = tpu.vector_load %arg5[%get3A_199] {strides = array<i32>} : memref<11264xf32, #tpu.memory_space<vmem>>, vector<16xf32>,
        %add3A_201 = arith.constant 64 : i32
        %add3A_202 = arith.addi %add3A_115, %add3A_201 : i32
        %get3A_203 = arith.index_cast %add3A_202 : i32 to index
        %get3A_204 = tpu.vector_load %arg5[%get3A_203] {strides = array<i32>} : memref<11264xf32, #tpu.memory_space<vmem>>, vector<16xf32>,
        %get3A_205 = arith.index_cast %add3A_119 : i32 to index
        %get3A_206 = tpu.vector_load %arg5[%get3A_205] {strides = array<i32>} : memref<11264xf32, #tpu.memory_space<vmem>>, vector<16xf32>,
        %add3A_207 = arith.constant 64 : i32
        %add3A_208 = arith.addi %add3A_119, %add3A_207 : i32
        %get3A_209 = arith.index_cast %add3A_208 : i32 to index
        %get3A_210 = tpu.vector_load %arg5[%get3A_209] {strides = array<i32>} : memref<11264xf32, #tpu.memory_space<vmem>>, vector<16xf32>,
        %get3A_211 = arith.index_cast %add3A_123 : i32 to index
        %get3A_212 = tpu.vector_load %arg5[%get3A_211] {strides = array<i32>} : memref<11264xf32, #tpu.memory_space<vmem>>, vector<16xf32>,
        %add3A_213 = arith.constant 64 : i32
        %add3A_214 = arith.addi %add3A_123, %add3A_213 : i32
        %get3A_215 = arith.index_cast %add3A_214 : i32 to index
        %get3A_216 = tpu.vector_load %arg5[%get3A_215] {strides = array<i32>} : memref<11264xf32, #tpu.memory_space<vmem>>, vector<16xf32>,
        %get3A_217 = arith.index_cast %add3A_127 : i32 to index
        %get3A_218 = tpu.vector_load %arg5[%get3A_217] {strides = array<i32>} : memref<11264xf32, #tpu.memory_space<vmem>>, vector<16xf32>,
        %add3A_219 = arith.constant 64 : i32
        %add3A_220 = arith.addi %add3A_127, %add3A_219 : i32
        %get3A_221 = arith.index_cast %add3A_220 : i32 to index
        %get3A_222 = tpu.vector_load %arg5[%get3A_221] {strides = array<i32>} : memref<11264xf32, #tpu.memory_space<vmem>>, vector<16xf32>,
        %add3A_223 = arith.addf %get3A_128, %get3A_132 : vector<16xf32>
        %add3A_224 = arith.addf %get3A_140, %get3A_144 : vector<16xf32>
        %add3A_225 = arith.addf %get3A_152, %get3A_156 : vector<16xf32>
        %add3A_226 = arith.addf %get3A_164, %get3A_168 : vector<16xf32>
        %add3A_227 = arith.addf %get3A_176, %get3A_180 : vector<16xf32>
        %add3A_228 = arith.addf %get3A_188, %get3A_192 : vector<16xf32>
        %add3A_229 = arith.addf %get3A_200, %get3A_204 : vector<16xf32>
        %add3A_230 = arith.addf %get3A_212, %get3A_216 : vector<16xf32>
        %add3A_231 = arith.addf %get3A_134, %get3A_138 : vector<16xf32>
        %add3A_232 = arith.addf %get3A_146, %get3A_150 : vector<16xf32>
        %add3A_233 = arith.addf %get3A_158, %get3A_162 : vector<16xf32>
        %add3A_234 = arith.addf %get3A_170, %get3A_174 : vector<16xf32>
        %add3A_235 = arith.addf %get3A_182, %get3A_186 : vector<16xf32>
        %add3A_236 = arith.addf %get3A_194, %get3A_198 : vector<16xf32>
        %add3A_237 = arith.addf %get3A_206, %get3A_210 : vector<16xf32>
        %add3A_238 = arith.addf %get3A_218, %get3A_222 : vector<16xf32>
        %add3A_239 = arith.addf %add3A_223, %add3A_231 : vector<16xf32>
        %add3A_240 = arith.addf %add3A_224, %add3A_232 : vector<16xf32>
        %add3A_241 = arith.addf %add3A_225, %add3A_233 : vector<16xf32>
        %add3A_242 = arith.addf %add3A_226, %add3A_234 : vector<16xf32>
        %add3A_243 = arith.addf %add3A_227, %add3A_235 : vector<16xf32>
        %add3A_244 = arith.addf %add3A_228, %add3A_236 : vector<16xf32>
        %add3A_245 = arith.addf %add3A_229, %add3A_237 : vector<16xf32>
        %add3A_246 = arith.addf %add3A_230, %add3A_238 : vector<16xf32>
        %mul3A_247 = arith.constant 2.500000e-01 : f32
        %mul3A_248 = vector.broadcast %mul3A_247 : f32 to vector<16xf32>
        %mul3A_249 = arith.mulf %add3A_239, %mul3A_248 : vector<16xf32>
        %mul3A_250 = arith.constant 2.500000e-01 : f32
        %mul3A_251 = vector.broadcast %mul3A_250 : f32 to vector<16xf32>
        %mul3A_252 = arith.mulf %add3A_240, %mul3A_251 : vector<16xf32>
        %mul3A_253 = arith.constant 2.500000e-01 : f32
        %mul3A_254 = vector.broadcast %mul3A_253 : f32 to vector<16xf32>
        %mul3A_255 = arith.mulf %add3A_241, %mul3A_254 : vector<16xf32>
        %mul3A_256 = arith.constant 2.500000e-01 : f32
        %mul3A_257 = vector.broadcast %mul3A_256 : f32 to vector<16xf32>
        %mul3A_258 = arith.mulf %add3A_242, %mul3A_257 : vector<16xf32>
        %mul3A_259 = arith.constant 2.500000e-01 : f32
        %mul3A_260 = vector.broadcast %mul3A_259 : f32 to vector<16xf32>
        %mul3A_261 = arith.mulf %add3A_243, %mul3A_260 : vector<16xf32>
        %mul3A_262 = arith.constant 2.500000e-01 : f32
        %mul3A_263 = vector.broadcast %mul3A_262 : f32 to vector<16xf32>
        %mul3A_264 = arith.mulf %add3A_244, %mul3A_263 : vector<16xf32>
        %mul3A_265 = arith.constant 2.500000e-01 : f32
        %mul3A_266 = vector.broadcast %mul3A_265 : f32 to vector<16xf32>
        %mul3A_267 = arith.mulf %add3A_245, %mul3A_266 : vector<16xf32>
        %mul3A_268 = arith.constant 2.500000e-01 : f32
        %mul3A_269 = vector.broadcast %mul3A_268 : f32 to vector<16xf32>
        %mul3A_270 = arith.mulf %add3A_246, %mul3A_269 : vector<16xf32>
        %mul3A_271 = arith.constant 64 : i32
        %mul3A_272 = arith.muli %scan3A_61, %mul3A_271 : i32
        %add3A_273 = arith.constant 0 : i32
        %add3A_274 = arith.addi %add3A_273, %mul3A_272 : i32
        %add3A_275 = arith.constant 0 : i32
        %add3A_276 = arith.addi %add3A_274, %add3A_275 : i32
        %swap3A = arith.index_cast %add3A_276 : i32 to index
        %swap3A_277 = tpu.vector_load %arg6[%swap3A] {strides = array<i32>} : memref<2816xf32, #tpu.memory_space<vmem>>, vector<16xf32>,
        tpu.vector_store %arg6[%swap3A], %mul3A_249 {strides = array<i32>} : memref<2816xf32, #tpu.memory_space<vmem>>, vector<16xf32>,
        %mul3A_278 = arith.constant 64 : i32
        %mul3A_279 = arith.muli %scan3A_61, %mul3A_278 : i32
        %add3A_280 = arith.constant 0 : i32
        %add3A_281 = arith.addi %add3A_280, %mul3A_279 : i32
        %add3A_282 = arith.constant 16 : i32
        %add3A_283 = arith.addi %add3A_281, %add3A_282 : i32
        %swap3A_284 = arith.index_cast %add3A_283 : i32 to index
        %swap3A_285 = tpu.vector_load %arg6[%swap3A_284] {strides = array<i32>} : memref<2816xf32, #tpu.memory_space<vmem>>, vector<16xf32>,
        tpu.vector_store %arg6[%swap3A_284], %mul3A_252 {strides = array<i32>} : memref<2816xf32, #tpu.memory_space<vmem>>, vector<16xf32>,
        %mul3A_286 = arith.constant 64 : i32
        %mul3A_287 = arith.muli %scan3A_61, %mul3A_286 : i32
        %add3A_288 = arith.constant 0 : i32
        %add3A_289 = arith.addi %add3A_288, %mul3A_287 : i32
        %add3A_290 = arith.constant 32 : i32
        %add3A_291 = arith.addi %add3A_289, %add3A_290 : i32
        %swap3A_292 = arith.index_cast %add3A_291 : i32 to index
        %swap3A_293 = tpu.vector_load %arg6[%swap3A_292] {strides = array<i32>} : memref<2816xf32, #tpu.memory_space<vmem>>, vector<16xf32>,
        tpu.vector_store %arg6[%swap3A_292], %mul3A_255 {strides = array<i32>} : memref<2816xf32, #tpu.memory_space<vmem>>, vector<16xf32>,
        %mul3A_294 = arith.constant 64 : i32
        %mul3A_295 = arith.muli %scan3A_61, %mul3A_294 : i32
        %add3A_296 = arith.constant 0 : i32
        %add3A_297 = arith.addi %add3A_296, %mul3A_295 : i32
        %add3A_298 = arith.constant 48 : i32
        %add3A_299 = arith.addi %add3A_297, %add3A_298 : i32
        %swap3A_300 = arith.index_cast %add3A_299 : i32 to index
        %swap3A_301 = tpu.vector_load %arg6[%swap3A_300] {strides = array<i32>} : memref<2816xf32, #tpu.memory_space<vmem>>, vector<16xf32>,
        tpu.vector_store %arg6[%swap3A_300], %mul3A_258 {strides = array<i32>} : memref<2816xf32, #tpu.memory_space<vmem>>, vector<16xf32>,
        %mul3A_302 = arith.constant 64 : i32
        %mul3A_303 = arith.muli %scan3A_61, %mul3A_302 : i32
        %add3A_304 = arith.constant 1408 : i32
        %add3A_305 = arith.addi %add3A_304, %mul3A_303 : i32
        %add3A_306 = arith.constant 0 : i32
        %add3A_307 = arith.addi %add3A_305, %add3A_306 : i32
        %swap3A_308 = arith.index_cast %add3A_307 : i32 to index
        %swap3A_309 = tpu.vector_load %arg6[%swap3A_308] {strides = array<i32>} : memref<2816xf32, #tpu.memory_space<vmem>>, vector<16xf32>,
        tpu.vector_store %arg6[%swap3A_308], %mul3A_261 {strides = array<i32>} : memref<2816xf32, #tpu.memory_space<vmem>>, vector<16xf32>,
        %mul3A_310 = arith.constant 64 : i32
        %mul3A_311 = arith.muli %scan3A_61, %mul3A_310 : i32
        %add3A_312 = arith.constant 1408 : i32
        %add3A_313 = arith.addi %add3A_312, %mul3A_311 : i32
        %add3A_314 = arith.constant 16 : i32
        %add3A_315 = arith.addi %add3A_313, %add3A_314 : i32
        %swap3A_316 = arith.index_cast %add3A_315 : i32 to index
        %swap3A_317 = tpu.vector_load %arg6[%swap3A_316] {strides = array<i32>} : memref<2816xf32, #tpu.memory_space<vmem>>, vector<16xf32>,
        tpu.vector_store %arg6[%swap3A_316], %mul3A_264 {strides = array<i32>} : memref<2816xf32, #tpu.memory_space<vmem>>, vector<16xf32>,
        %mul3A_318 = arith.constant 64 : i32
        %mul3A_319 = arith.muli %scan3A_61, %mul3A_318 : i32
        %add3A_320 = arith.constant 1408 : i32
        %add3A_321 = arith.addi %add3A_320, %mul3A_319 : i32
        %add3A_322 = arith.constant 32 : i32
        %add3A_323 = arith.addi %add3A_321, %add3A_322 : i32
        %swap3A_324 = arith.index_cast %add3A_323 : i32 to index
        %swap3A_325 = tpu.vector_load %arg6[%swap3A_324] {strides = array<i32>} : memref<2816xf32, #tpu.memory_space<vmem>>, vector<16xf32>,
        tpu.vector_store %arg6[%swap3A_324], %mul3A_267 {strides = array<i32>} : memref<2816xf32, #tpu.memory_space<vmem>>, vector<16xf32>,
        %mul3A_326 = arith.constant 64 : i32
        %mul3A_327 = arith.muli %scan3A_61, %mul3A_326 : i32
        %add3A_328 = arith.constant 1408 : i32
        %add3A_329 = arith.addi %add3A_328, %mul3A_327 : i32
        %add3A_330 = arith.constant 48 : i32
        %add3A_331 = arith.addi %add3A_329, %add3A_330 : i32
        %swap3A_332 = arith.index_cast %add3A_331 : i32 to index
        %swap3A_333 = tpu.vector_load %arg6[%swap3A_332] {strides = array<i32>} : memref<2816xf32, #tpu.memory_space<vmem>>, vector<16xf32>,
        tpu.vector_store %arg6[%swap3A_332], %mul3A_270 {strides = array<i32>} : memref<2816xf32, #tpu.memory_space<vmem>>, vector<16xf32>,
      }
      %scan3A_45 = arith.constant 22 : i32
      %add3A_46 = arith.constant 45056 : i32
      %add3A_47 = arith.addi %mul3A_37, %add3A_46 : i32
      %mul3A_48 = arith.constant 2816 : i32
      %mul3A_49 = arith.muli %and3A_4, %mul3A_48 : i32
      %add3A_50 = arith.addi %add3A_47, %mul3A_49 : i32
      "tpu.region"() ({
        %run_scoped3A = tpu.sem_alloc : memref<!tpu.dma_semaphore, #tpu.memory_space<semaphore_mem>>
        %dma_start3A_61 = tpu.memref_slice %arg3[%add3A_50] : memref<354816xf32, #tpu.memory_space<hbm>> -> memref<2816xf32, #tpu.memory_space<hbm>>
        %dma_start3A_62 = tpu.memref_slice %arg3[%add3A_50] : memref<354816xf32, #tpu.memory_space<hbm>> -> memref<2816xf32, #tpu.memory_space<hbm>>
        tpu.enqueue_dma source(%arg6 : memref<2816xf32, #tpu.memory_space<vmem>>) target(%dma_start3A_62 : memref<2816xf32, #tpu.memory_space<hbm>>) target_semaphore(%run_scoped3A : memref<!tpu.dma_semaphore, #tpu.memory_space<semaphore_mem>>)
        %dma_wait3A_63 = tpu.memref_slice %arg3[%add3A_50] : memref<354816xf32, #tpu.memory_space<hbm>> -> memref<2816xf32, #tpu.memory_space<hbm>>
        %dma_wait3A_64 = tpu.memref_slice %arg3[%add3A_50] : memref<354816xf32, #tpu.memory_space<hbm>> -> memref<2816xf32, #tpu.memory_space<hbm>>
        tpu.wait_dma2 semaphore(%run_scoped3A : memref<!tpu.dma_semaphore, #tpu.memory_space<semaphore_mem>>) src(%arg6 : memref<2816xf32, #tpu.memory_space<vmem>>) dst(%dma_wait3A_64 : memref<2816xf32, #tpu.memory_space<hbm>>)
        tpu.yield
      }) : () -> ()
      %scan3A_51 = arith.constant 0 : i32
      %scan3A_52 = arith.constant 11 : i32
      %scan3A_53 = arith.addi %scan3A_51, %scan3A_52 : i32
      %scan3A_54 = arith.constant 1 : i32
      scf.for %scan3A_61 = %scan3A_51 to %scan3A_53 step %scan3A_54  : i32 {
        %mul3A_62 = arith.constant 128 : i32
        %mul3A_63 = arith.muli %scan3A_61, %mul3A_62 : i32
        %add3A_64 = arith.constant 0 : i32
        %add3A_65 = arith.addi %mul3A_63, %add3A_64 : i32
        %get3A = arith.index_cast %add3A_65 : i32 to index
        %get3A_66 = tpu.vector_load %arg6[%get3A] {strides = array<i32>} : memref<2816xf32, #tpu.memory_space<vmem>>, vector<16xf32>,
        %add3A_67 = arith.constant 64 : i32
        %add3A_68 = arith.addi %mul3A_63, %add3A_67 : i32
        %add3A_69 = arith.constant 0 : i32
        %add3A_70 = arith.addi %add3A_68, %add3A_69 : i32
        %get3A_71 = arith.index_cast %add3A_70 : i32 to index
        %get3A_72 = tpu.vector_load %arg6[%get3A_71] {strides = array<i32>} : memref<2816xf32, #tpu.memory_space<vmem>>, vector<16xf32>,
        %add3A_73 = arith.constant 1408 : i32
        %add3A_74 = arith.addi %add3A_73, %mul3A_63 : i32
        %add3A_75 = arith.constant 0 : i32
        %add3A_76 = arith.addi %add3A_74, %add3A_75 : i32
        %get3A_77 = arith.index_cast %add3A_76 : i32 to index
        %get3A_78 = tpu.vector_load %arg6[%get3A_77] {strides = array<i32>} : memref<2816xf32, #tpu.memory_space<vmem>>, vector<16xf32>,
        %add3A_79 = arith.constant 1408 : i32
        %add3A_80 = arith.addi %add3A_79, %mul3A_63 : i32
        %add3A_81 = arith.constant 64 : i32
        %add3A_82 = arith.addi %add3A_80, %add3A_81 : i32
        %add3A_83 = arith.constant 0 : i32
        %add3A_84 = arith.addi %add3A_82, %add3A_83 : i32
        %get3A_85 = arith.index_cast %add3A_84 : i32 to index
        %get3A_86 = tpu.vector_load %arg6[%get3A_85] {strides = array<i32>} : memref<2816xf32, #tpu.memory_space<vmem>>, vector<16xf32>,
        %add3A_87 = arith.constant 16 : i32
        %add3A_88 = arith.addi %mul3A_63, %add3A_87 : i32
        %get3A_89 = arith.index_cast %add3A_88 : i32 to index
        %get3A_90 = tpu.vector_load %arg6[%get3A_89] {strides = array<i32>} : memref<2816xf32, #tpu.memory_space<vmem>>, vector<16xf32>,
        %add3A_91 = arith.constant 64 : i32
        %add3A_92 = arith.addi %mul3A_63, %add3A_91 : i32
        %add3A_93 = arith.constant 16 : i32
        %add3A_94 = arith.addi %add3A_92, %add3A_93 : i32
        %get3A_95 = arith.index_cast %add3A_94 : i32 to index
        %get3A_96 = tpu.vector_load %arg6[%get3A_95] {strides = array<i32>} : memref<2816xf32, #tpu.memory_space<vmem>>, vector<16xf32>,
        %add3A_97 = arith.constant 1408 : i32
        %add3A_98 = arith.addi %add3A_97, %mul3A_63 : i32
        %add3A_99 = arith.constant 16 : i32
        %add3A_100 = arith.addi %add3A_98, %add3A_99 : i32
        %get3A_101 = arith.index_cast %add3A_100 : i32 to index
        %get3A_102 = tpu.vector_load %arg6[%get3A_101] {strides = array<i32>} : memref<2816xf32, #tpu.memory_space<vmem>>, vector<16xf32>,
        %add3A_103 = arith.constant 1408 : i32
        %add3A_104 = arith.addi %add3A_103, %mul3A_63 : i32
        %add3A_105 = arith.constant 64 : i32
        %add3A_106 = arith.addi %add3A_104, %add3A_105 : i32
        %add3A_107 = arith.constant 16 : i32
        %add3A_108 = arith.addi %add3A_106, %add3A_107 : i32
        %get3A_109 = arith.index_cast %add3A_108 : i32 to index
        %get3A_110 = tpu.vector_load %arg6[%get3A_109] {strides = array<i32>} : memref<2816xf32, #tpu.memory_space<vmem>>, vector<16xf32>,
        %add3A_111 = arith.constant 32 : i32
        %add3A_112 = arith.addi %mul3A_63, %add3A_111 : i32
        %get3A_113 = arith.index_cast %add3A_112 : i32 to index
        %get3A_114 = tpu.vector_load %arg6[%get3A_113] {strides = array<i32>} : memref<2816xf32, #tpu.memory_space<vmem>>, vector<16xf32>,
        %add3A_115 = arith.constant 64 : i32
        %add3A_116 = arith.addi %mul3A_63, %add3A_115 : i32
        %add3A_117 = arith.constant 32 : i32
        %add3A_118 = arith.addi %add3A_116, %add3A_117 : i32
        %get3A_119 = arith.index_cast %add3A_118 : i32 to index
        %get3A_120 = tpu.vector_load %arg6[%get3A_119] {strides = array<i32>} : memref<2816xf32, #tpu.memory_space<vmem>>, vector<16xf32>,
        %add3A_121 = arith.constant 1408 : i32
        %add3A_122 = arith.addi %add3A_121, %mul3A_63 : i32
        %add3A_123 = arith.constant 32 : i32
        %add3A_124 = arith.addi %add3A_122, %add3A_123 : i32
        %get3A_125 = arith.index_cast %add3A_124 : i32 to index
        %get3A_126 = tpu.vector_load %arg6[%get3A_125] {strides = array<i32>} : memref<2816xf32, #tpu.memory_space<vmem>>, vector<16xf32>,
        %add3A_127 = arith.constant 1408 : i32
        %add3A_128 = arith.addi %add3A_127, %mul3A_63 : i32
        %add3A_129 = arith.constant 64 : i32
        %add3A_130 = arith.addi %add3A_128, %add3A_129 : i32
        %add3A_131 = arith.constant 32 : i32
        %add3A_132 = arith.addi %add3A_130, %add3A_131 : i32
        %get3A_133 = arith.index_cast %add3A_132 : i32 to index
        %get3A_134 = tpu.vector_load %arg6[%get3A_133] {strides = array<i32>} : memref<2816xf32, #tpu.memory_space<vmem>>, vector<16xf32>,
        %add3A_135 = arith.constant 48 : i32
        %add3A_136 = arith.addi %mul3A_63, %add3A_135 : i32
        %get3A_137 = arith.index_cast %add3A_136 : i32 to index
        %get3A_138 = tpu.vector_load %arg6[%get3A_137] {strides = array<i32>} : memref<2816xf32, #tpu.memory_space<vmem>>, vector<16xf32>,
        %add3A_139 = arith.constant 64 : i32
        %add3A_140 = arith.addi %mul3A_63, %add3A_139 : i32
        %add3A_141 = arith.constant 48 : i32
        %add3A_142 = arith.addi %add3A_140, %add3A_141 : i32
        %get3A_143 = arith.index_cast %add3A_142 : i32 to index
        %get3A_144 = tpu.vector_load %arg6[%get3A_143] {strides = array<i32>} : memref<2816xf32, #tpu.memory_space<vmem>>, vector<16xf32>,
        %add3A_145 = arith.constant 1408 : i32
        %add3A_146 = arith.addi %add3A_145, %mul3A_63 : i32
        %add3A_147 = arith.constant 48 : i32
        %add3A_148 = arith.addi %add3A_146, %add3A_147 : i32
        %get3A_149 = arith.index_cast %add3A_148 : i32 to index
        %get3A_150 = tpu.vector_load %arg6[%get3A_149] {strides = array<i32>} : memref<2816xf32, #tpu.memory_space<vmem>>, vector<16xf32>,
        %add3A_151 = arith.constant 1408 : i32
        %add3A_152 = arith.addi %add3A_151, %mul3A_63 : i32
        %add3A_153 = arith.constant 64 : i32
        %add3A_154 = arith.addi %add3A_152, %add3A_153 : i32
        %add3A_155 = arith.constant 48 : i32
        %add3A_156 = arith.addi %add3A_154, %add3A_155 : i32
        %get3A_157 = arith.index_cast %add3A_156 : i32 to index
        %get3A_158 = tpu.vector_load %arg6[%get3A_157] {strides = array<i32>} : memref<2816xf32, #tpu.memory_space<vmem>>, vector<16xf32>,
        %add3A_159 = arith.addf %get3A_66, %get3A_72 : vector<16xf32>
        %add3A_160 = arith.addf %get3A_90, %get3A_96 : vector<16xf32>
        %add3A_161 = arith.addf %get3A_114, %get3A_120 : vector<16xf32>
        %add3A_162 = arith.addf %get3A_138, %get3A_144 : vector<16xf32>
        %add3A_163 = arith.addf %get3A_78, %get3A_86 : vector<16xf32>
        %add3A_164 = arith.addf %get3A_102, %get3A_110 : vector<16xf32>
        %add3A_165 = arith.addf %get3A_126, %get3A_134 : vector<16xf32>
        %add3A_166 = arith.addf %get3A_150, %get3A_158 : vector<16xf32>
        %add3A_167 = arith.addf %add3A_159, %add3A_163 : vector<16xf32>
        %add3A_168 = arith.addf %add3A_160, %add3A_164 : vector<16xf32>
        %add3A_169 = arith.addf %add3A_161, %add3A_165 : vector<16xf32>
        %add3A_170 = arith.addf %add3A_162, %add3A_166 : vector<16xf32>
        %mul3A_171 = arith.constant 2.500000e-01 : f32
        %mul3A_172 = vector.broadcast %mul3A_171 : f32 to vector<16xf32>
        %mul3A_173 = arith.mulf %add3A_167, %mul3A_172 : vector<16xf32>
        %mul3A_174 = arith.constant 2.500000e-01 : f32
        %mul3A_175 = vector.broadcast %mul3A_174 : f32 to vector<16xf32>
        %mul3A_176 = arith.mulf %add3A_168, %mul3A_175 : vector<16xf32>
        %mul3A_177 = arith.constant 2.500000e-01 : f32
        %mul3A_178 = vector.broadcast %mul3A_177 : f32 to vector<16xf32>
        %mul3A_179 = arith.mulf %add3A_169, %mul3A_178 : vector<16xf32>
        %mul3A_180 = arith.constant 2.500000e-01 : f32
        %mul3A_181 = vector.broadcast %mul3A_180 : f32 to vector<16xf32>
        %mul3A_182 = arith.mulf %add3A_170, %mul3A_181 : vector<16xf32>
        %mul3A_183 = arith.constant 64 : i32
        %mul3A_184 = arith.muli %scan3A_61, %mul3A_183 : i32
        %add3A_185 = arith.constant 0 : i32
        %add3A_186 = arith.addi %mul3A_184, %add3A_185 : i32
        %swap3A = arith.index_cast %add3A_186 : i32 to index
        %swap3A_187 = tpu.vector_load %arg7[%swap3A] {strides = array<i32>} : memref<704xf32, #tpu.memory_space<vmem>>, vector<16xf32>,
        tpu.vector_store %arg7[%swap3A], %mul3A_173 {strides = array<i32>} : memref<704xf32, #tpu.memory_space<vmem>>, vector<16xf32>,
        %mul3A_188 = arith.constant 64 : i32
        %mul3A_189 = arith.muli %scan3A_61, %mul3A_188 : i32
        %add3A_190 = arith.constant 16 : i32
        %add3A_191 = arith.addi %mul3A_189, %add3A_190 : i32
        %swap3A_192 = arith.index_cast %add3A_191 : i32 to index
        %swap3A_193 = tpu.vector_load %arg7[%swap3A_192] {strides = array<i32>} : memref<704xf32, #tpu.memory_space<vmem>>, vector<16xf32>,
        tpu.vector_store %arg7[%swap3A_192], %mul3A_176 {strides = array<i32>} : memref<704xf32, #tpu.memory_space<vmem>>, vector<16xf32>,
        %mul3A_194 = arith.constant 64 : i32
        %mul3A_195 = arith.muli %scan3A_61, %mul3A_194 : i32
        %add3A_196 = arith.constant 32 : i32
        %add3A_197 = arith.addi %mul3A_195, %add3A_196 : i32
        %swap3A_198 = arith.index_cast %add3A_197 : i32 to index
        %swap3A_199 = tpu.vector_load %arg7[%swap3A_198] {strides = array<i32>} : memref<704xf32, #tpu.memory_space<vmem>>, vector<16xf32>,
        tpu.vector_store %arg7[%swap3A_198], %mul3A_179 {strides = array<i32>} : memref<704xf32, #tpu.memory_space<vmem>>, vector<16xf32>,
        %mul3A_200 = arith.constant 64 : i32
        %mul3A_201 = arith.muli %scan3A_61, %mul3A_200 : i32
        %add3A_202 = arith.constant 48 : i32
        %add3A_203 = arith.addi %mul3A_201, %add3A_202 : i32
        %swap3A_204 = arith.index_cast %add3A_203 : i32 to index
        %swap3A_205 = tpu.vector_load %arg7[%swap3A_204] {strides = array<i32>} : memref<704xf32, #tpu.memory_space<vmem>>, vector<16xf32>,
        tpu.vector_store %arg7[%swap3A_204], %mul3A_182 {strides = array<i32>} : memref<704xf32, #tpu.memory_space<vmem>>, vector<16xf32>,
      }
      %scan3A_55 = arith.constant 11 : i32
      %add3A_56 = arith.constant 56320 : i32
      %add3A_57 = arith.addi %mul3A_37, %add3A_56 : i32
      %mul3A_58 = arith.constant 704 : i32
      %mul3A_59 = arith.muli %and3A_4, %mul3A_58 : i32
      %add3A_60 = arith.addi %add3A_57, %mul3A_59 : i32
      "tpu.region"() ({
        %run_scoped3A = tpu.sem_alloc : memref<!tpu.dma_semaphore, #tpu.memory_space<semaphore_mem>>
        %dma_start3A_61 = tpu.memref_slice %arg3[%add3A_60] : memref<354816xf32, #tpu.memory_space<hbm>> -> memref<704xf32, #tpu.memory_space<hbm>>
        %dma_start3A_62 = tpu.memref_slice %arg3[%add3A_60] : memref<354816xf32, #tpu.memory_space<hbm>> -> memref<704xf32, #tpu.memory_space<hbm>>
        tpu.enqueue_dma source(%arg7 : memref<704xf32, #tpu.memory_space<vmem>>) target(%dma_start3A_62 : memref<704xf32, #tpu.memory_space<hbm>>) target_semaphore(%run_scoped3A : memref<!tpu.dma_semaphore, #tpu.memory_space<semaphore_mem>>)
        %dma_wait3A_63 = tpu.memref_slice %arg3[%add3A_60] : memref<354816xf32, #tpu.memory_space<hbm>> -> memref<704xf32, #tpu.memory_space<hbm>>
        %dma_wait3A_64 = tpu.memref_slice %arg3[%add3A_60] : memref<354816xf32, #tpu.memory_space<hbm>> -> memref<704xf32, #tpu.memory_space<hbm>>
        tpu.wait_dma2 semaphore(%run_scoped3A : memref<!tpu.dma_semaphore, #tpu.memory_space<semaphore_mem>>) src(%arg7 : memref<704xf32, #tpu.memory_space<vmem>>) dst(%dma_wait3A_64 : memref<704xf32, #tpu.memory_space<hbm>>)
        tpu.yield
      }) : () -> ()
    } else {
    }
    return
  }
}

</mosaic_0001>

<sc_bundles>
// kernel: kernel.3.cloned.1.call-start
scs
__scs_entry_jumppad:
0x0: {  	(pc) =	sbr.rel $0x88, $3  }
0x1: {  	(tag) =	ssettag $0x0;
	lr =	simm.s32 $0x1  }
0x2: {  	[smem:$0x3FA0] =	sst lr;
	_ =	strace $0xD0000000  }
0x3: {  	_ = 	snop  }
0x4: {  	_ = 	snop  }
0x5: {  	_ = 	snop  }
0x6: {  	_ = 	snop  }
0x7: {  	_ = 	snop  }
__scs_overlays_trampoline_lowered:
0x8: {  	[smem:$0x3FAF] =	sst s0  }
0x9: {  	[smem:$0x3FB0] =	sst s1  }
0xa: {  	[smem:$0x3FB1] =	sst s2  }
0xb: {  	[smem:$0x3FB2] =	sst s3  }
0xc: {  	[smem:$0x3FB3] =	sst s4  }
0xd: {  	[smem:$0x3FB4] =	sst s5  }
0xe: {  	[smem:$0x3FB5] =	sst s6  }
0xf: {  	[smem:$0x3FB6] =	sst s7  }
0x10: {  	[smem:$0x3FB7] =	sst s8  }
0x11: {  	[smem:$0x3FB8] =	sst s9;
	s0 =	simm.s32 @!p0 $0x0  }
0x12: {  	s1 =	sld [smem:$0x3F9E];
	s0 =	simm.s32 @p0 $0x1  }
0x13: {  	[smem:$0x3FB9] =	sst s0;
	s0 =	simm.s32 @!p1 $0x0  }
0x14: {  	s2 =	sld [smem:$0x3F9D];
	s0 =	simm.s32 @p1 $0x1  }
0x15: {  	[smem:$0x3FBA] =	sst s0;
	s0 =	simm.s32 @!p2 $0x0  }
0x16: {  	s3 =	sld [smem:$0x3FDB];
	s0 =	simm.s32 @p2 $0x1  }
0x17: {  	s4 =	simm.s32 $0x1BF5;
	[smem:$0x3FBC] =	sst s0  }
0x18: {  	s0 =	sld [smem:$0x3F9F];
	_ =	swait.ge [sflag:s4], $0x0  }
0x19: {  	s7 =	sld [smem:$0x3FA0]  }
0x1a: {  	s8 =	sadd.s32 $0xFFFFE003, lr  }
0x1b: {  	s9 =	sadd.s32 $0xFFFFFEF7, lr;
	s5 =	simm.s32 $0xFFFFFFFF;
	p2 =	slt.u32 s8, $0xFFFFF086  }
0x1c: {  	p1 =	slt.u32 s9, $0xF7A;
	s5 =	simm.s32 @!p2 $0x0  }
0x1d: {  	s5 =	simm.s32 @p1 $0x1;
	p0 =	seq.s32 s7, s2  }
0x1e: {  	s7 =	smul.u32 @!p0 $0xF7A, s2;
	p2 =	seq.s32 @!p0 s5, $0x0  }
0x1f: {  	s9 =	smul.u32 $0xF7A, s1;
	s8 =	simm.s32 @!p0 $0x1BF5;
	p2 =	por !p2, p0  }
0x20: {  	[sflag:s8] =	ssyncset.s32 @!p0 $0xFFFFF086;
	s6 =	sadd.s32 @!p0 s3, s7;
	s7 =	simm.s32 @!p0 $0x108  }
0x21: {  	s3 =	sadd.s32 s3, s9;
	s6 =	sadd.s32 @!p0 $0x88, s6;
	s7 =	simm.s32 @p2 $0x1082  }
0x22: {  	[simem:s7], [sflag:s8] =	dma.local @!p0 [hbm:s6], $0xF7A  }
0x23: {  	s9 =	sor.u32 $0xD0000000, s2;
	s6 =	simm.s32 $0x108;
	_ =	swait.ge @!p0 [sflag:s8], $0x0  }
0x24: {  	s3 =	sadd.s32 $0x88, s3;
	s6 =	simm.s32 @!p1 $0x1082;
	[sflag:s4] =	ssyncset.s32 $0xFFFFF086  }
0x25: {  	[simem:s6], [sflag:s4] =	dma.local [hbm:s3], $0xF7A  }
0x26: {  	[smem:$0x3FA0] =	sst s1;
	(tag) =	ssettag s2;
	_ =	strace s9  }
0x27: {  	s1 =	sld [smem:$0x3FB0]  }
0x28: {  	s2 =	sld [smem:$0x3FB1]  }
0x29: {  	s4 =	sld [smem:$0x3FB3]  }
0x2a: {  	p0 =	seq.s32 s5, $0x0;
	s5 =	sld [smem:$0x3FB4]  }
0x2b: {  	s6 =	sld [smem:$0x3FB5]  }
0x2c: {  	s7 =	sld [smem:$0x3FB6]  }
0x2d: {  	s3 =	simm.s32 $0x108;
	s8 =	sld [smem:$0x3FB7]  }
0x2e: {  	s3 =	simm.s32 @!p0 $0x1082;
	s9 =	sld [smem:$0x3FB8]  }
0x2f: {  	lr =	sadd.s32 s0, s3;
	s0 =	sld [smem:$0x3FAF]  }
0x30: {  	s3 =	sld [smem:$0x3FB2]  }
0x31: {  	[smem:$0x3FBB] =	sst s10  }
0x32: {  	s10 =	sld [smem:$0x3FB9];
	_ =	sdelay $0x3  }
0x33: {  	p0 =	seq.s32 s10, $0x1;
	s10 =	sld [smem:$0x3FBB];
	_ =	sdelay $0x3  }
0x34: {  	[smem:$0x3FBB] =	sst s10  }
0x35: {  	s10 =	sld [smem:$0x3FBA];
	_ =	sdelay $0x3  }
0x36: {  	p1 =	seq.s32 s10, $0x1;
	s10 =	sld [smem:$0x3FBB];
	_ =	sdelay $0x3  }
0x37: {  	[smem:$0x3FBB] =	sst s10  }
0x38: {  	s10 =	sld [smem:$0x3FBC]  }
0x39: {  	_ = 	snop;
	(pc) =	sbr.ind lr, $3  }
0x3a: {  	_ = 	snop  }
0x3b: {  	_ = 	snop  }
0x3c: {  	p2 =	seq.s32 s10, $0x1;
	s10 =	sld [smem:$0x3FBB]  }
0x3d: {  	_ =	shalt  }
0x3e: {  	_ =	shalt  }
0x3f: {  	_ =	shalt  }
0x40: {  	_ =	shalt  }
0x41: {  	_ =	shalt  }
0x42: {  	_ =	shalt  }
0x43: {  	_ =	shalt  }
0x44: {  	_ =	shalt  }
0x45: {  	_ =	shalt  }
0x46: {  	_ =	shalt  }
0x47: {  	_ =	shalt  }
0x48: {  	_ =	shalt  }
0x49: {  	_ =	shalt  }
0x4a: {  	_ =	shalt  }
0x4b: {  	_ =	shalt  }
0x4c: {  	_ =	shalt  }
0x4d: {  	_ =	shalt  }
0x4e: {  	_ =	shalt  }
0x4f: {  	_ =	shalt  }
0x50: {  	_ =	shalt  }
0x51: {  	_ =	shalt  }
0x52: {  	_ =	shalt  }
0x53: {  	_ =	shalt  }
0x54: {  	_ =	shalt  }
0x55: {  	_ =	shalt  }
0x56: {  	_ =	shalt  }
0x57: {  	_ =	shalt  }
0x58: {  	_ =	shalt  }
0x59: {  	_ =	shalt  }
0x5a: {  	_ =	shalt  }
0x5b: {  	_ =	shalt  }
0x5c: {  	_ =	shalt  }
0x5d: {  	_ =	shalt  }
0x5e: {  	_ =	shalt  }
0x5f: {  	_ =	shalt  }
0x60: {  	_ =	shalt  }
0x61: {  	_ =	shalt  }
0x62: {  	_ =	shalt  }
0x63: {  	_ =	shalt  }
0x64: {  	_ =	shalt  }
0x65: {  	_ =	shalt  }
0x66: {  	_ =	shalt  }
0x67: {  	_ =	shalt  }
0x68: {  	_ =	shalt  }
0x69: {  	_ =	shalt  }
0x6a: {  	_ =	shalt  }
0x6b: {  	_ =	shalt  }
0x6c: {  	_ =	shalt  }
0x6d: {  	_ =	shalt  }
0x6e: {  	_ =	shalt  }
0x6f: {  	_ =	shalt  }
0x70: {  	_ =	shalt  }
0x71: {  	_ =	shalt  }
0x72: {  	_ =	shalt  }
0x73: {  	_ =	shalt  }
0x74: {  	_ =	shalt  }
0x75: {  	_ =	shalt  }
0x76: {  	_ =	shalt  }
0x77: {  	_ =	shalt  }
0x78: {  	_ =	shalt  }
0x79: {  	_ =	shalt  }
0x7a: {  	_ =	shalt  }
0x7b: {  	_ =	shalt  }
0x7c: {  	_ =	shalt  }
0x7d: {  	_ =	shalt  }
0x7e: {  	_ =	shalt  }
0x7f: {  	_ =	shalt  }
0x80: {  	_ =	shalt  }
0x81: {  	_ =	shalt  }
0x82: {  	_ =	shalt  }
0x83: {  	_ =	shalt  }
0x84: {  	_ =	shalt  }
0x85: {  	_ =	shalt  }
0x86: {  	_ =	shalt  }
0x87: {  	_ =	shalt  }
.Lfunc_end0:
.L_simem_size_0:
called_computation_lowered:
.L_overlay_start_0:
0x88: {  	s2 =	sld [smem:$0x3FD9]  }
0x89: {  	s3 =	sld [smem:$0x3FFE];
	_ =	sdelay $0x1  }
0x8a: {  	s1 =	srdreg.scid  }
0x8b: {  	s0 =	sand.u32 $0x1, s1  }
0x8c: {  	s17 =	sshll.u32 s0, $0xA;
	s2 =	sadd.s32 s3, s2  }
0x8d: {  	s2 =	sadd.s32 s2, s17  }
0x8e: {  	[smem:$0x3FC7] =	sst s2  }
0x8f: {  	_ = 	snop  }
0x90: {  	s2 =	sld [smem:$0x3FD0];
	(tm) =	ssettm $0x1  }
0x91: {  	s18 =	sld [smem:$0x3FFB];
	_ =	sdelay $0x3  }
0x92: {  	_ =	strace s18  }
0x93: {  	s3 =	sld [smem:$0x3FFC];
	_ =	sdelay $0x3  }
0x94: {  	_ =	strace s3  }
0x95: {  	s3 =	sld [smem:$0x3FFD];
	_ =	sdelay $0x3  }
0x96: {  	_ =	strace s3  }
0x97: {  	_ =	strace $0x8FFFFFFF  }
0x98: {  	s19 =	sld [smem:$0x3FDB];
	_ =	sdelay $0x1  }
0x99: {  	s4 =	simm.s32 $_scs_section_size  }
0x9a: {  	s5 =	simm.s32 $_size__tile_overlayer_lowered;
	s6 =	simm.s32 $_tile_overlayer_lowered  }
0x9b: {  	s22 =	simm.s32 $0x1BFF;
	s21 =	sshll.u32 s6, $0x1;
	s3 =	sadd.s32 s4, s19  }
0x9c: {  	s7 =	simm.s32 $0x0;
	s20 =	sshll.u32 s5, $0x1;
	s5 =	sadd.s32 s21, s3  }
0x9d: {  	[timem:s7], [sflag:s22] =	dma.local [hbm:s5], s20  }
0x9e: {  	_ =	swait.ge [sflag:s22], s20  }
0x9f: {  	s4 =	ssub.s32 $0x0, s20;
	[sflag:s22] =	ssyncset.done $0x0  }
0xa0: {  	[sflag:s22] =	ssyncadd.s32 s4;
	_ =	sdelay $0x1  }
0xa1: {  	s23 =	simm.s32 $0x1B8B  }
0xa2: {  	_ =	swait.ge [sflag:s23], $0x1  }
0xa3: {  	[sflag:s23] =	ssyncset.done $0x0  }
0xa4: {  	s25 =	simm.s32 $0x1B8E;
	s24 =	sld [smem:$0x3FFE];
	[sflag:s23] =	ssyncadd.s32 $0xFFFFFFFF  }
0xa5: {  	s26 =	simm.s32 $execute0_lowered;
	[smem:$0x3FD2] =	sst s25  }
0xa6: {  	s5 =	sshll.u32 s26, $0x1;
	_ =	strace $0x80000046;
	[dreg:$0x1] =	wrdreg $0xFFFFFFFF  }
0xa7: {  	s28 =	simm.s32 $_size_execute0_lowered;
	s3 =	sadd.s32 s3, s5;
	[dreg:$0x0] =	wrdreg $0x0  }
0xa8: {  	s5 =	sshll.u32 s28, $0x1;
	[dreg:$0x2] =	wrdreg s3  }
0xa9: {  	[dreg:$0x3] =	wrdreg s5  }
0xaa: {  	[dreg:$0x4] =	wrdreg $0xC0  }
0xab: {  	_ =	task [dreg:s7], $0x5FFFF  }
0xac: {  	[dreg:$0x1] =	wrdreg $0xFFFFFFFF  }
0xad: {  	[dreg:$0x0] =	wrdreg $0x60  }
0xae: {  	[dreg:$0x2] =	wrdreg s24  }
0xaf: {  	[dreg:$0x3] =	wrdreg s2  }
0xb0: {  	[dreg:$0x4] =	wrdreg $0x9  }
0xb1: {  	_ =	task.clear_ibuf [dreg:s7], $0x5FFFF;
	_ =	strace $0x90000046  }
0xb2: {  	s29 =	simm.s32 $0x9;
	_ =	strace $0x80000048  }
0xb3: {  	_ =	swait.ge [sflag:s29], $0x1  }
0xb4: {  	[sflag:s29] =	ssyncadd.s32 $0xFFFFFFFF  }
0xb5: {  	_ =	strace $0x90000048  }
0xb6: {  	_ =	sfence  }
0xb7: {  	s30 =	sld [smem:$0x0];
	_ =	sdelay $0x2  }
0xb8: {  	s31 =	sshll.u32 s1, $0xD;
	s1 =	sshrl.u32 s1, $0x2  }
0xb9: {  	s3 =	sand.u32 $0x4000, s31;
	s1 =	sadd.s32 s1, s30  }
0xba: {  	s0 =	sor.u32 s3, s0;
	s1 =	sshll.u32 s1, $0x11  }
0xbb: {  	s0 =	sor.u32 s1, s0  }
0xbc: {  	s0 =	sadd.s32 $0x8F2B, s0  }
0xbd: {  	[sflag:s0] =	ssyncadd.remote.s32 $0x1  }
0xbe: {  	_ =	sfence.sel $0xFFFF  }
0xbf: {  	[dreg:$0x0] =	wrdreg $0xFFFFFFFF;
	(pc) =	sbr.abs _section_cstart, $3  }
0xc0: {  	[dreg:$0x1] =	wrdreg $0xFFFFFFFF  }
0xc1: {  	_ =	task.clear_ibuf [dreg:s7], $0x2FFFF;
	_ =	strace $0x9FFFFFFF  }
0xc2: {  	(tm) =	ssettm $0x7FFFFFFF  }
0xc3: {  	_ =	shalt  }
tec
execute0_lowered:
.L_overlay_start_1:
0x0: {  	(tag) =	ssettag $0x1  }
0x1: {  	s1 =	stileid.u32  }
0x2: {  	p0 =	sgt.u32 s1, $0xB  }
.Ltmp0:
0x3: {  	_ = 	snop;
	(pc) =	sbr.rel @p0 .LBB2_11-.Ltmp0, $4  }
0x4: {  	s3 =	rddreg [dreg:$0x0]  }
0x5: {  	s5 =	rddreg [dreg:$0x1];
	s2 =	simm.s32 $0x0  }
0x6: {  	[smem:$0x7FF] =	sst s2  }
0x7: {  	s0 =	rddreg [dreg:$0x2];
	_ =	strace $0x80000047  }
0x8: {  	s4 =	srdreg.scid;
	s6 =	sshll.u32 s1, $0x1;
	s25 =	sshrl.u32 s1, $0x1  }
0x9: {  	s7 =	sand.u32 $0x1, s4;
	s6 =	sand.u32 $0x2, s6;
	s8 =	smul.u32 $0xE700, s25  }
0xa: {  	s12 =	smul.u32 $0xC000, s25;
	s6 =	sor.u32 s7, s6  }
0xb: {  	s9 =	smul.u32 $0x2C00, s6  }
0xc: {  	s10 =	smul.u32 $0xB00, s6  }
0xd: {  	s11 =	sadd.s32 $0x400, s3;
	s7 =	ssub.s32 $0x2, s7;
	s29 =	smul.u32 $0x2C0, s6  }
0xe: {  	s13 =	simm.s32 $0x0;
	s6 =	smul.u32 $0x3000, s6;
	s30 =	sshrl.u32 s7, $0x1  }
0xf: {  	s7 =	ssub.s32 s7, s30;
	s26 =	sadd.s32 s8, s9;
	s28 =	sadd.s32 s10, s8  }
0x10: {  	s8 =	sadd.s32 s29, s8;
	s6 =	sadd.s32 s12, s6;
	s7 =	smax.u32 s7, $0x1  }
0x11: {  	v0 =	vlaneseq.u32;
	s10 =	simm.s32 $0x2;
	s12 =	simm.s32 $0x6700;
	s3 =	sshrl.u32 s26, $0x3  }
0x12: {  	v0 =	vshrl.u32 v0, $0x3;
	s9 =	sshrl.u32 s28, $0x3;
	s8 =	sshrl.u32 s8, $0x3;
	s6 =	sshrl.u32 s6, $0x3  }
0x13: {  	v0 =	vmul.u32 $0x40, v0;
	s3 =	sadd.s32 s5, s3;
	s9 =	sadd.s32 s5, s9;
	s31 =	sadd.s32 s5, s8  }
0x14: {  	s6 =	sadd.s32 s11, s6;
	s8 =	simm.s32 $0x1;
	s11 =	simm.s32 $0x5C00  }
0x15: {  	v1 =	vimm.f32 $0.0e+00;
	v2 =	vor.u32 $0x1, v0;
	s4 =	sadd.s32 $0x1600, s9;
	s5 =	sadd.s32 $0x1B80, s31;
	s9 =	simm.s32 $0x3000  }
.LBB2_2:
0x16: {  	s14 =	simm.s32 $0x0  }
0x17: {  	[tilespmem:s14], [sflag:$0x1] =	stream.linear.gather [hbm4b:s6+s14], $0x3000, $0x38;
	[tilespmem:$0x6A00] =	vst v63  }
0x18: {  	s15 =	simm.s32 $0x400;
	s14 =	simm.s32 $0x0  }
.LBB2_3:
0x19: {  	p0 =	sne.s32 s15, $0xAC00;
	[tilespmem:s14+$0x30F0] =	vst v1  }
0x1a: {  	[tilespmem:s14+$0x3000] =	vst v1  }
0x1b: {  	[tilespmem:s14+$0x3010] =	vst v1  }
0x1c: {  	[tilespmem:s14+$0x3020] =	vst v1  }
0x1d: {  	[tilespmem:s14+$0x3030] =	vst v1  }
0x1e: {  	[tilespmem:s14+$0x3040] =	vst v1  }
0x1f: {  	[tilespmem:s14+$0x3050] =	vst v1  }
0x20: {  	[tilespmem:s14+$0x3060] =	vst v1  }
0x21: {  	[tilespmem:s14+$0x3070] =	vst v1  }
0x22: {  	[tilespmem:s14+$0x3080] =	vst v1  }
0x23: {  	[tilespmem:s14+$0x3090] =	vst v1  }
.Ltmp1:
0x24: {  	[tilespmem:s14+$0x30A0] =	vst v1;
	(pc) =	sbr.rel @p0 .LBB2_3-.Ltmp1, $4  }
0x25: {  	[tilespmem:s14+$0x30B0] =	vst v1  }
0x26: {  	[tilespmem:s14+$0x30C0] =	vst v1  }
0x27: {  	[tilespmem:s14+$0x30D0] =	vst v1  }
0x28: {  	[tilespmem:s14+$0x30E0] =	vst v1;
	s14 =	sshra.s32 s15, $0x2;
	s15 =	sadd.s32 $0x400, s15  }
0x29: {  	[tilespmem:s14+$0x30F0] =	vst v1  }
0x2a: {  	[tilespmem:s14+$0x3000] =	vst v1  }
0x2b: {  	[tilespmem:s14+$0x3010] =	vst v1  }
0x2c: {  	[tilespmem:s14+$0x3020] =	vst v1  }
0x2d: {  	[tilespmem:s14+$0x3030] =	vst v1  }
0x2e: {  	[tilespmem:s14+$0x3040] =	vst v1  }
0x2f: {  	[tilespmem:s14+$0x3050] =	vst v1  }
0x30: {  	[tilespmem:s14+$0x3060] =	vst v1  }
0x31: {  	[tilespmem:s14+$0x3070] =	vst v1  }
0x32: {  	[tilespmem:s14+$0x3080] =	vst v1  }
0x33: {  	[tilespmem:s14+$0x3090] =	vst v1  }
0x34: {  	[tilespmem:s14+$0x30A0] =	vst v1  }
0x35: {  	[tilespmem:s14+$0x30B0] =	vst v1  }
0x36: {  	[tilespmem:s14+$0x30C0] =	vst v1  }
0x37: {  	[tilespmem:s14+$0x30D0] =	vst v1  }
0x38: {  	[tilespmem:s14+$0x30E0] =	vst v1  }
0x39: {  	_ =	swait.ge [sflag:s8], $0x3000  }
0x3a: {  	[sflag:s8] =	ssyncset.done $0x0  }
0x3b: {  	s14 =	simm.s32 $0x0;
	s15 =	simm.s32 $0x0;
	[sflag:s8] =	ssyncadd.s32 $0xFFFFD000  }
.LBB2_5:
0x3c: {  	s16 =	sshrl.u32 s15, $0x3  }
0x3d: {  	s17 =	smul.u32 $0x3000, s16;
	_ =	sdelay $0x1  }
0x3e: {  	s18 =	sand.u32 $0x380, s14;
	s17 =	sshra.s32 s17, $0x2  }
0x3f: {  	s17 =	sor.u32 s18, s17  }
0x40: {  	v3 =	vld [tilespmem:s17+$0x0]  }
0x41: {  	v4 =	vld [tilespmem:s17+$0x10]  }
0x42: {  	v5 =	vld [tilespmem:s17+$0x20]  }
0x43: {  	v6 =	vld [tilespmem:s17+$0x30]  }
0x44: {  	v7 =	vld [tilespmem:s17+$0x40]  }
0x45: {  	v8 =	vld [tilespmem:s17+$0x50]  }
0x46: {  	v9 =	vld [tilespmem:s17+$0x60]  }
0x47: {  	v10 =	vld [tilespmem:s17+$0x70]  }
0x48: {  	v11 =	vld [tilespmem:s17+$0x400]  }
0x49: {  	v12 =	vld [tilespmem:s17+$0x410];
	v3 =	vmul.f32 $6.461538310e+00, v3;
	v4 =	vmul.f32 $6.461538310e+00, v4  }
0x4a: {  	v15 =	vld [tilespmem:s17+$0x420];
	v5 =	vmul.f32 $6.461538310e+00, v5;
	v6 =	vmul.f32 $6.461538310e+00, v6  }
0x4b: {  	v7 =	vmul.f32 $6.461538310e+00, v7;
	v8 =	vmul.f32 $6.461538310e+00, v8  }
0x4c: {  	v9 =	vmul.f32 $6.461538310e+00, v9;
	v10 =	vmul.f32 $6.461538310e+00, v10;
	v3 =	vadd.f32 $-1.615384580e+00, v3  }
0x4d: {  	v11 =	vmul.f32 $6.461538310e+00, v11;
	v4 =	vadd.f32 $-1.615384580e+00, v4;
	v5 =	vadd.f32 $-1.615384580e+00, v5  }
0x4e: {  	v12 =	vmul.f32 $6.461538310e+00, v12;
	v6 =	vadd.f32 $-1.615384580e+00, v6;
	v7 =	vadd.f32 $-1.615384580e+00, v7  }
0x4f: {  	v15 =	vmul.f32 $6.461538310e+00, v15;
	v8 =	vadd.f32 $-1.615384580e+00, v8;
	v9 =	vadd.f32 $-1.615384580e+00, v9  }
0x50: {  	v10 =	vadd.f32 $-1.615384580e+00, v10;
	v11 =	vadd.f32 $-1.615384580e+00, v11  }
0x51: {  	v12 =	vadd.f32 $-1.615384580e+00, v12;
	v15 =	vadd.f32 $-1.615384580e+00, v15  }
0x52: {  	v3 =	vmax.f32 v3, $0.0e+00;
	v4 =	vmax.f32 v4, $0.0e+00;
	v5 =	vmax.f32 v5, $0.0e+00  }
0x53: {  	v6 =	vmax.f32 v6, $0.0e+00;
	v7 =	vmax.f32 v7, $0.0e+00;
	v8 =	vmax.f32 v8, $0.0e+00  }
0x54: {  	v9 =	vmax.f32 v9, $0.0e+00;
	v10 =	vmax.f32 v10, $0.0e+00;
	v11 =	vmax.f32 v11, $0.0e+00  }
0x55: {  	v12 =	vmax.f32 v12, $0.0e+00;
	v15 =	vmax.f32 v15, $0.0e+00;
	v13 =	vmin.f32 v3, $6.300000000e+01  }
0x56: {  	v14 =	vmin.f32 v4, $6.300000000e+01;
	v16 =	vmin.f32 v5, $6.300000000e+01;
	v17 =	vmin.f32 v6, $6.300000000e+01  }
0x57: {  	v18 =	vmin.f32 v7, $6.300000000e+01;
	v19 =	vmin.f32 v8, $6.300000000e+01;
	v20 =	vmin.f32 v9, $6.300000000e+01  }
0x58: {  	v21 =	vmin.f32 v10, $6.300000000e+01;
	v22 =	vmin.f32 v11, $6.300000000e+01;
	v23 =	vmin.f32 v12, $6.300000000e+01  }
0x59: {  	v3 =	vmin.f32 v3, $6.250000000e+01;
	v4 =	vmin.f32 v4, $6.250000000e+01;
	v5 =	vmin.f32 v5, $6.250000000e+01  }
0x5a: {  	v6 =	vmin.f32 v6, $6.250000000e+01;
	v7 =	vmin.f32 v7, $6.250000000e+01;
	v8 =	vmin.f32 v8, $6.250000000e+01  }
0x5b: {  	v9 =	vmin.f32 v9, $6.250000000e+01;
	v10 =	vmin.f32 v10, $6.250000000e+01;
	v3 =	vtrunc.f32 v3  }
0x5c: {  	v11 =	vmin.f32 v11, $6.250000000e+01;
	v4 =	vtrunc.f32 v4;
	v5 =	vtrunc.f32 v5  }
0x5d: {  	v12 =	vmin.f32 v12, $6.250000000e+01;
	v6 =	vtrunc.f32 v6;
	v7 =	vtrunc.f32 v7  }
0x5e: {  	v24 =	vmin.f32 v15, $6.300000000e+01;
	v8 =	vtrunc.f32 v8;
	v9 =	vtrunc.f32 v9  }
0x5f: {  	v15 =	vmin.f32 v15, $6.250000000e+01;
	v10 =	vtrunc.f32 v10;
	v11 =	vtrunc.f32 v11  }
0x60: {  	v12 =	vtrunc.f32 v12;
	v15 =	vtrunc.f32 v15  }
0x61: {  	v3 =	vcvt.f32.s32 v3;
	v4 =	vcvt.f32.s32 v4  }
0x62: {  	v5 =	vcvt.f32.s32 v5;
	v6 =	vcvt.f32.s32 v6  }
0x63: {  	v7 =	vcvt.f32.s32 v7;
	v8 =	vcvt.f32.s32 v8  }
0x64: {  	v9 =	vcvt.f32.s32 v9;
	v25 =	vcvt.s32.f32 v3  }
0x65: {  	v10 =	vcvt.f32.s32 v10;
	v11 =	vcvt.f32.s32 v11  }
0x66: {  	v12 =	vcvt.f32.s32 v12;
	v39 =	vcvt.s32.f32 v4;
	v13 =	vsub.f32 v13, v25  }
0x67: {  	v15 =	vcvt.f32.s32 v15;
	v26 =	vcvt.s32.f32 v5;
	v27 =	vadd.s32 v0, v3  }
0x68: {  	v3 =	vadd.s32 v2, v3;
	v14 =	vsub.f32 v14, v39;
	v13 =	vmul.f32 $1.562500000e-02, v13  }
0x69: {  	s16 =	smul.u32 $0x2C00, s16;
	v40 =	vcvt.s32.f32 v6;
	v41 =	vadd.s32 v0, v4;
	v4 =	vadd.s32 v2, v4  }
0x6a: {  	v16 =	vsub.f32 v16, v26;
	v14 =	vmul.f32 $1.562500000e-02, v14;
	v28 =	vsub.f32 $1.562500000e-02, v13  }
0x6b: {  	s16 =	sshra.s32 s16, $0x2;
	v42 =	vcvt.s32.f32 v7;
	v29 =	vadd.s32 v0, v5;
	v5 =	vadd.s32 v2, v5  }
0x6c: {  	v17 =	vsub.f32 v17, v40;
	v16 =	vmul.f32 $1.562500000e-02, v16;
	v30 =	vsub.f32 $1.562500000e-02, v14;
	[tilespmem:v27+s16+$0x3000] =	vst.idx.add.f32.msk $0xffff, v28  }
0x6d: {  	v43 =	vcvt.s32.f32 v8;
	v44 =	vadd.s32 v0, v6;
	v6 =	vadd.s32 v2, v6;
	[tilespmem:v3+s16+$0x3000] =	vst.idx.add.f32.msk $0xffff, v13  }
0x6e: {  	v18 =	vsub.f32 v18, v42;
	v45 =	vsub.f32 $1.562500000e-02, v16;
	v3 =	vmul.f32 $1.562500000e-02, v17;
	[tilespmem:v41+s16+$0x3080] =	vst.idx.add.f32.msk $0xffff, v30  }
0x6f: {  	v47 =	vcvt.s32.f32 v9;
	v48 =	vadd.s32 v0, v7;
	v7 =	vadd.s32 v2, v7;
	[tilespmem:v4+s16+$0x3080] =	vst.idx.add.f32.msk $0xffff, v14  }
0x70: {  	v46 =	vsub.f32 v19, v43;
	v49 =	vmul.f32 $1.562500000e-02, v18;
	v50 =	vsub.f32 $1.562500000e-02, v3;
	[tilespmem:v29+s16+$0x3100] =	vst.idx.add.f32.msk $0xffff, v45  }
0x71: {  	v52 =	vcvt.s32.f32 v10;
	v53 =	vadd.s32 v0, v8;
	v8 =	vadd.s32 v2, v8;
	[tilespmem:v5+s16+$0x3100] =	vst.idx.add.f32.msk $0xffff, v16  }
0x72: {  	v51 =	vsub.f32 v20, v47;
	v54 =	vmul.f32 $1.562500000e-02, v46;
	v55 =	vsub.f32 $1.562500000e-02, v49;
	[tilespmem:v44+s16+$0x3180] =	vst.idx.add.f32.msk $0xffff, v50  }
0x73: {  	v57 =	vcvt.s32.f32 v11;
	v58 =	vadd.s32 v0, v9;
	v9 =	vadd.s32 v2, v9;
	[tilespmem:v6+s16+$0x3180] =	vst.idx.add.f32.msk $0xffff, v3  }
0x74: {  	v56 =	vsub.f32 v21, v52;
	v59 =	vsub.f32 $1.562500000e-02, v54;
	v3 =	vmul.f32 $1.562500000e-02, v51;
	[tilespmem:v48+s16+$0x3200] =	vst.idx.add.f32.msk $0xffff, v55  }
0x75: {  	v61 =	vcvt.s32.f32 v12;
	v62 =	vadd.s32 v0, v10;
	v60 =	vsub.f32 v22, v57;
	[tilespmem:v7+s16+$0x3200] =	vst.idx.add.f32.msk $0xffff, v49  }
0x76: {  	v21 =	vadd.s32 v2, v10;
	v63 =	vmul.f32 $1.562500000e-02, v56;
	v20 =	vsub.f32 $1.562500000e-02, v3;
	[tilespmem:v53+s16+$0x3280] =	vst.idx.add.f32.msk $0xffff, v59  }
0x77: {  	v22 =	vsub.f32 v23, v61;
	v23 =	vcvt.s32.f32 v15;
	v25 =	vadd.s32 v0, v11;
	[tilespmem:v8+s16+$0x3280] =	vst.idx.add.f32.msk $0xffff, v54  }
0x78: {  	v26 =	vmul.f32 $1.562500000e-02, v60;
	v27 =	vsub.f32 $1.562500000e-02, v63;
	v28 =	vadd.s32 v2, v11;
	[tilespmem:v58+s16+$0x3300] =	vst.idx.add.f32.msk $0xffff, v20  }
0x79: {  	v32 =	vadd.s32 v2, v12;
	v30 =	vadd.s32 v0, v12;
	[tilespmem:v9+s16+$0x3300] =	vst.idx.add.f32.msk $0xffff, v3  }
0x7a: {  	v31 =	vsub.f32 $1.562500000e-02, v26;
	v29 =	vsub.f32 v24, v23;
	v3 =	vmul.f32 $1.562500000e-02, v22;
	[tilespmem:v62+s16+$0x3380] =	vst.idx.add.f32.msk $0xffff, v27  }
0x7b: {  	v33 =	vadd.s32 v0, v15;
	[tilespmem:v21+s16+$0x3380] =	vst.idx.add.f32.msk $0xffff, v63  }
0x7c: {  	v36 =	vadd.s32 v2, v15;
	v34 =	vmul.f32 $1.562500000e-02, v29;
	v35 =	vsub.f32 $1.562500000e-02, v3;
	[tilespmem:v25+s16+$0x3400] =	vst.idx.add.f32.msk $0xffff, v31  }
0x7d: {  	[tilespmem:v28+s16+$0x3400] =	vst.idx.add.f32.msk $0xffff, v26  }
0x7e: {  	v37 =	vsub.f32 $1.562500000e-02, v34;
	[tilespmem:v30+s16+$0x3480] =	vst.idx.add.f32.msk $0xffff, v35  }
0x7f: {  	[tilespmem:v32+s16+$0x3480] =	vst.idx.add.f32.msk $0xffff, v3  }
0x80: {  	[tilespmem:v33+s16+$0x3500] =	vst.idx.add.f32.msk $0xffff, v37  }
0x81: {  	[tilespmem:v36+s16+$0x3500] =	vst.idx.add.f32.msk $0xffff, v34  }
0x82: {  	v3 =	vld [tilespmem:s17+$0x430]  }
0x83: {  	v4 =	vld [tilespmem:s17+$0x440]  }
0x84: {  	v5 =	vld [tilespmem:s17+$0x450]  }
0x85: {  	v6 =	vld [tilespmem:s17+$0x460]  }
0x86: {  	v7 =	vld [tilespmem:s17+$0x470]  }
0x87: {  	v8 =	vld [tilespmem:s17+$0x800]  }
0x88: {  	v9 =	vld [tilespmem:s17+$0x810]  }
0x89: {  	v10 =	vld [tilespmem:s17+$0x820]  }
0x8a: {  	v38 =	vld [tilespmem:s17+$0x830]  }
0x8b: {  	v39 =	vld [tilespmem:s17+$0x840];
	v3 =	vmul.f32 $6.461538310e+00, v3;
	v4 =	vmul.f32 $6.461538310e+00, v4  }
0x8c: {  	v42 =	vld [tilespmem:s17+$0x850];
	v5 =	vmul.f32 $6.461538310e+00, v5;
	v6 =	vmul.f32 $6.461538310e+00, v6  }
0x8d: {  	v7 =	vmul.f32 $6.461538310e+00, v7;
	v8 =	vmul.f32 $6.461538310e+00, v8  }
0x8e: {  	v9 =	vmul.f32 $6.461538310e+00, v9;
	v10 =	vmul.f32 $6.461538310e+00, v10;
	v3 =	vadd.f32 $-1.615384580e+00, v3  }
0x8f: {  	v11 =	vmul.f32 $6.461538310e+00, v38;
	v4 =	vadd.f32 $-1.615384580e+00, v4;
	v5 =	vadd.f32 $-1.615384580e+00, v5  }
0x90: {  	v12 =	vmul.f32 $6.461538310e+00, v39;
	v6 =	vadd.f32 $-1.615384580e+00, v6;
	v7 =	vadd.f32 $-1.615384580e+00, v7  }
0x91: {  	v15 =	vmul.f32 $6.461538310e+00, v42;
	v8 =	vadd.f32 $-1.615384580e+00, v8;
	v9 =	vadd.f32 $-1.615384580e+00, v9  }
0x92: {  	v10 =	vadd.f32 $-1.615384580e+00, v10;
	v11 =	vadd.f32 $-1.615384580e+00, v11  }
0x93: {  	v12 =	vadd.f32 $-1.615384580e+00, v12;
	v15 =	vadd.f32 $-1.615384580e+00, v15  }
0x94: {  	v3 =	vmax.f32 v3, $0.0e+00;
	v4 =	vmax.f32 v4, $0.0e+00;
	v5 =	vmax.f32 v5, $0.0e+00  }
0x95: {  	v6 =	vmax.f32 v6, $0.0e+00;
	v7 =	vmax.f32 v7, $0.0e+00;
	v8 =	vmax.f32 v8, $0.0e+00  }
0x96: {  	v9 =	vmax.f32 v9, $0.0e+00;
	v10 =	vmax.f32 v10, $0.0e+00;
	v11 =	vmax.f32 v11, $0.0e+00  }
0x97: {  	v12 =	vmax.f32 v12, $0.0e+00;
	v15 =	vmax.f32 v15, $0.0e+00;
	v40 =	vmin.f32 v3, $6.300000000e+01  }
0x98: {  	v41 =	vmin.f32 v4, $6.300000000e+01;
	v43 =	vmin.f32 v5, $6.300000000e+01;
	v44 =	vmin.f32 v6, $6.300000000e+01  }
0x99: {  	v45 =	vmin.f32 v7, $6.300000000e+01;
	v46 =	vmin.f32 v8, $6.300000000e+01;
	v47 =	vmin.f32 v9, $6.300000000e+01  }
0x9a: {  	v48 =	vmin.f32 v10, $6.300000000e+01;
	v49 =	vmin.f32 v11, $6.300000000e+01;
	v50 =	vmin.f32 v12, $6.300000000e+01  }
0x9b: {  	v3 =	vmin.f32 v3, $6.250000000e+01;
	v4 =	vmin.f32 v4, $6.250000000e+01;
	v5 =	vmin.f32 v5, $6.250000000e+01  }
0x9c: {  	v6 =	vmin.f32 v6, $6.250000000e+01;
	v7 =	vmin.f32 v7, $6.250000000e+01;
	v8 =	vmin.f32 v8, $6.250000000e+01  }
0x9d: {  	v9 =	vmin.f32 v9, $6.250000000e+01;
	v10 =	vmin.f32 v10, $6.250000000e+01;
	v3 =	vtrunc.f32 v3  }
0x9e: {  	v11 =	vmin.f32 v11, $6.250000000e+01;
	v4 =	vtrunc.f32 v4;
	v5 =	vtrunc.f32 v5  }
0x9f: {  	v12 =	vmin.f32 v12, $6.250000000e+01;
	v6 =	vtrunc.f32 v6;
	v7 =	vtrunc.f32 v7  }
0xa0: {  	v24 =	vmin.f32 v15, $6.300000000e+01;
	v8 =	vtrunc.f32 v8;
	v9 =	vtrunc.f32 v9  }
0xa1: {  	v15 =	vmin.f32 v15, $6.250000000e+01;
	v10 =	vtrunc.f32 v10;
	v11 =	vtrunc.f32 v11  }
0xa2: {  	v12 =	vtrunc.f32 v12;
	v15 =	vtrunc.f32 v15  }
0xa3: {  	v3 =	vcvt.f32.s32 v3;
	v4 =	vcvt.f32.s32 v4  }
0xa4: {  	v5 =	vcvt.f32.s32 v5;
	v6 =	vcvt.f32.s32 v6  }
0xa5: {  	v7 =	vcvt.f32.s32 v7;
	v8 =	vcvt.f32.s32 v8  }
0xa6: {  	v9 =	vcvt.f32.s32 v9;
	v51 =	vcvt.s32.f32 v3  }
0xa7: {  	v10 =	vcvt.f32.s32 v10;
	v11 =	vcvt.f32.s32 v11  }
0xa8: {  	v12 =	vcvt.f32.s32 v12;
	v52 =	vcvt.s32.f32 v4;
	v13 =	vsub.f32 v40, v51  }
0xa9: {  	v15 =	vcvt.f32.s32 v15;
	v53 =	vcvt.s32.f32 v5;
	v54 =	vadd.s32 v0, v3  }
0xaa: {  	v3 =	vadd.s32 v2, v3;
	v14 =	vsub.f32 v41, v52;
	v13 =	vmul.f32 $1.562500000e-02, v13  }
0xab: {  	v55 =	vcvt.s32.f32 v6;
	v56 =	vadd.s32 v0, v4;
	v4 =	vadd.s32 v2, v4  }
0xac: {  	v16 =	vsub.f32 v43, v53;
	v14 =	vmul.f32 $1.562500000e-02, v14;
	v57 =	vsub.f32 $1.562500000e-02, v13  }
0xad: {  	v58 =	vcvt.s32.f32 v7;
	v59 =	vadd.s32 v0, v5;
	v5 =	vadd.s32 v2, v5  }
0xae: {  	v17 =	vsub.f32 v44, v55;
	v16 =	vmul.f32 $1.562500000e-02, v16;
	v60 =	vsub.f32 $1.562500000e-02, v14;
	[tilespmem:v54+s16+$0x3580] =	vst.idx.add.f32.msk $0xffff, v57  }
0xaf: {  	v61 =	vcvt.s32.f32 v8;
	v62 =	vadd.s32 v0, v6;
	v6 =	vadd.s32 v2, v6;
	[tilespmem:v3+s16+$0x3580] =	vst.idx.add.f32.msk $0xffff, v13  }
0xb0: {  	v18 =	vsub.f32 v45, v58;
	v63 =	vsub.f32 $1.562500000e-02, v16;
	v3 =	vmul.f32 $1.562500000e-02, v17;
	[tilespmem:v56+s16+$0x3600] =	vst.idx.add.f32.msk $0xffff, v60  }
0xb1: {  	v30 =	vcvt.s32.f32 v9;
	v31 =	vadd.s32 v0, v7;
	v7 =	vadd.s32 v2, v7;
	[tilespmem:v4+s16+$0x3600] =	vst.idx.add.f32.msk $0xffff, v14  }
0xb2: {  	v28 =	vsub.f32 v46, v61;
	v32 =	vmul.f32 $1.562500000e-02, v18;
	v33 =	vsub.f32 $1.562500000e-02, v3;
	[tilespmem:v59+s16+$0x3680] =	vst.idx.add.f32.msk $0xffff, v63  }
0xb3: {  	v35 =	vcvt.s32.f32 v10;
	v36 =	vadd.s32 v0, v8;
	v8 =	vadd.s32 v2, v8;
	[tilespmem:v5+s16+$0x3680] =	vst.idx.add.f32.msk $0xffff, v16  }
0xb4: {  	v34 =	vsub.f32 v47, v30;
	v37 =	vmul.f32 $1.562500000e-02, v28;
	v38 =	vsub.f32 $1.562500000e-02, v32;
	[tilespmem:v62+s16+$0x3700] =	vst.idx.add.f32.msk $0xffff, v33  }
0xb5: {  	v39 =	vsub.f32 v48, v35;
	v40 =	vcvt.s32.f32 v11;
	v41 =	vadd.s32 v0, v9;
	[tilespmem:v6+s16+$0x3700] =	vst.idx.add.f32.msk $0xffff, v3  }
0xb6: {  	v9 =	vadd.s32 v2, v9;
	v42 =	vsub.f32 $1.562500000e-02, v37;
	v3 =	vmul.f32 $1.562500000e-02, v34;
	[tilespmem:v31+s16+$0x3780] =	vst.idx.add.f32.msk $0xffff, v38  }
0xb7: {  	v44 =	vcvt.s32.f32 v12;
	v45 =	vadd.s32 v0, v10;
	v48 =	vadd.s32 v2, v10;
	[tilespmem:v7+s16+$0x3780] =	vst.idx.add.f32.msk $0xffff, v32  }
0xb8: {  	v43 =	vsub.f32 v49, v40;
	v46 =	vmul.f32 $1.562500000e-02, v39;
	v47 =	vsub.f32 $1.562500000e-02, v3;
	[tilespmem:v36+s16+$0x3800] =	vst.idx.add.f32.msk $0xffff, v42  }
0xb9: {  	v51 =	vadd.s32 v0, v11;
	v49 =	vsub.f32 v50, v44;
	v50 =	vcvt.s32.f32 v15;
	[tilespmem:v8+s16+$0x3800] =	vst.idx.add.f32.msk $0xffff, v37  }
0xba: {  	v52 =	vmul.f32 $1.562500000e-02, v43;
	v53 =	vsub.f32 $1.562500000e-02, v46;
	v54 =	vadd.s32 v2, v11;
	[tilespmem:v41+s16+$0x3880] =	vst.idx.add.f32.msk $0xffff, v47  }
0xbb: {  	v58 =	vadd.s32 v2, v12;
	v56 =	vadd.s32 v0, v12;
	[tilespmem:v9+s16+$0x3880] =	vst.idx.add.f32.msk $0xffff, v3  }
0xbc: {  	v55 =	vsub.f32 v24, v50;
	v57 =	vsub.f32 $1.562500000e-02, v52;
	v3 =	vmul.f32 $1.562500000e-02, v49;
	[tilespmem:v45+s16+$0x3900] =	vst.idx.add.f32.msk $0xffff, v53  }
0xbd: {  	v59 =	vadd.s32 v0, v15;
	[tilespmem:v48+s16+$0x3900] =	vst.idx.add.f32.msk $0xffff, v46  }
0xbe: {  	p0 =	sne.s32 s15, $0x1F;
	v60 =	vmul.f32 $1.562500000e-02, v55;
	v62 =	vadd.s32 v2, v15;
	v61 =	vsub.f32 $1.562500000e-02, v3;
	[tilespmem:v51+s16+$0x3980] =	vst.idx.add.f32.msk $0xffff, v57  }
.Ltmp2:
0xbf: {  	[tilespmem:v54+s16+$0x3980] =	vst.idx.add.f32.msk $0xffff, v52;
	(pc) =	sbr.rel @p0 .LBB2_5-.Ltmp2, $4  }
0xc0: {  	v63 =	vsub.f32 $1.562500000e-02, v60;
	[tilespmem:v56+s16+$0x3A00] =	vst.idx.add.f32.msk $0xffff, v61  }
0xc1: {  	[tilespmem:v58+s16+$0x3A00] =	vst.idx.add.f32.msk $0xffff, v3  }
0xc2: {  	[tilespmem:v59+s16+$0x3A80] =	vst.idx.add.f32.msk $0xffff, v63  }
0xc3: {  	s14 =	sadd.s32 $0x80, s14;
	s15 =	sadd.s32 $0x1, s15;
	[tilespmem:v62+s16+$0x3A80] =	vst.idx.add.f32.msk $0xffff, v60  }
0xc4: {  	s14 =	simm.s32 $0x0  }
0xc5: {  	[hbm4b:s3+s14] =	stream.linear.scatter [tilespmem:s9], [sflag:$0x2], $0x2C00, $0x38;
	[tilespmem:$0x6A00] =	vst v63  }
0xc6: {  	_ =	swait.ge [sflag:s10], $0x2C00  }
0xc7: {  	[sflag:s10] =	ssyncset.done $0x0  }
0xc8: {  	s15 =	simm.s32 $0x4600;
	[sflag:s10] =	ssyncadd.s32 $0xFFFFD400  }
0xc9: {  	v6 =	vld [tilespmem:s15+$0xFFFFEA40]  }
0xca: {  	v7 =	vld [tilespmem:s15+$0xFFFFF560]  }
0xcb: {  	v9 =	vld [tilespmem:s15+$0xFFFFEA60]  }
0xcc: {  	v10 =	vld [tilespmem:s15+$0xFFFFEA20]  }
0xcd: {  	v11 =	vld [tilespmem:s15+$0xFFFFF520]  }
0xce: {  	v8 =	vld [tilespmem:s15+$0xFFFFEA30]  }
0xcf: {  	v12 =	vld [tilespmem:s15+$0xFFFFEA70]  }
0xd0: {  	v13 =	vld [tilespmem:s15+$0xFFFFF530]  }
0xd1: {  	v14 =	vld [tilespmem:s15+$0xFFFFF570]  }
0xd2: {  	v15 =	vld [tilespmem:s15+$0xFFFFF540]  }
0xd3: {  	v16 =	vld [tilespmem:s15+$0xFFFFF500]  }
0xd4: {  	v17 =	vld [tilespmem:s15+$0xFFFFEA00]  }
0xd5: {  	v3 =	vld [tilespmem:s15+$0xB00]  }
0xd6: {  	v4 =	vld [tilespmem:s15+$0xB40]  }
0xd7: {  	v18 =	vld [tilespmem:s15+$0x20]  }
0xd8: {  	v5 =	vld [tilespmem:s15+$0xB60]  }
0xd9: {  	v19 =	vld [tilespmem:s15+$0x50]  }
0xda: {  	v20 =	vld [tilespmem:s15+$0x60]  }
0xdb: {  	v21 =	vld [tilespmem:s15+$0x70]  }
0xdc: {  	v22 =	vld [tilespmem:s15+$0x10]  }
0xdd: {  	v23 =	vld [tilespmem:s15+$0x0]  }
0xde: {  	v24 =	vld [tilespmem:s15+$0xB10]  }
0xdf: {  	v25 =	vld [tilespmem:s15+$0xB50]  }
0xe0: {  	v13 =	vadd.f32 v14, v13;
	v12 =	vadd.f32 v12, v8;
	v8 =	vld [tilespmem:s15+$0xFFFFEA50]  }
0xe1: {  	v9 =	vadd.f32 v9, v10;
	v10 =	vadd.f32 v15, v16;
	v15 =	vld [tilespmem:s15+$0x40]  }
0xe2: {  	v14 =	vadd.f32 v6, v17;
	v16 =	vld [tilespmem:s15+$0x30];
	v7 =	vadd.f32 v7, v11  }
0xe3: {  	v11 =	vadd.f32 v19, v22;
	v13 =	vadd.f32 v13, v12;
	v12 =	vld [tilespmem:s15+$0xFFFFF550]  }
0xe4: {  	v19 =	vadd.f32 v25, v24;
	v17 =	vadd.f32 v10, v14;
	v10 =	vld [tilespmem:s15+$0xB20]  }
0xe5: {  	v6 =	vadd.f32 v20, v18;
	v18 =	vadd.f32 v7, v9;
	v14 =	vld [tilespmem:s15+$0xB30]  }
0xe6: {  	v11 =	vadd.f32 v19, v11;
	v7 =	vmul.f32 $2.500000000e-01, v13;
	v9 =	vmul.f32 $2.500000000e-01, v17;
	v17 =	vld [tilespmem:s15+$0xFFFFEA10]  }
0xe7: {  	s17 =	simm.s32 $0x5C00;
	s18 =	simm.s32 $0x40;
	s16 =	simm.s32 $0x5C00;
	v13 =	vmul.f32 $2.500000000e-01, v18;
	v18 =	vld [tilespmem:s15+$0xFFFFF510];
	v15 =	vadd.f32 v15, v23;
	v16 =	vadd.f32 v21, v16  }
.LBB2_7:
0xe8: {  	p0 =	sne.s32 s18, $0x540;
	v19 =	vld [tilespmem:s15+$0xB70];
	s15 =	sadd.s32 $0x80, s15;
	s17 =	sadd.s32 $0x40, s17  }
0xe9: {  	s19 =	smov.u32 s18;
	s18 =	sadd.s32 $0x40, s18;
	_ =	sdelay $0x1  }
0xea: {  	v8 =	vadd.f32 v8, v17  }
0xeb: {  	v12 =	vadd.f32 v12, v18  }
0xec: {  	v3 =	vadd.f32 v4, v3;
	v4 =	vadd.f32 v19, v14  }
0xed: {  	v5 =	vadd.f32 v5, v10;
	v8 =	vadd.f32 v12, v8  }
0xee: {  	v3 =	vadd.f32 v3, v15;
	v4 =	vadd.f32 v4, v16;
	[tilespmem:s16+$0x30] =	vst v7  }
0xef: {  	v5 =	vadd.f32 v5, v6;
	v6 =	vmul.f32 $2.500000000e-01, v8;
	[tilespmem:s16+$0x20] =	vst v13  }
0xf0: {  	v3 =	vmul.f32 $2.500000000e-01, v3;
	[tilespmem:s16+$0x0] =	vst v9  }
0xf1: {  	s20 =	sand.u32 $0x7C0, s14;
	s14 =	smov.u32 s19;
	v5 =	vmul.f32 $2.500000000e-01, v5;
	v7 =	vmul.f32 $2.500000000e-01, v11;
	[tilespmem:s16+$0x10] =	vst v6  }
0xf2: {  	[tilespmem:s20+$0x6180] =	vst v3  }
0xf3: {  	v3 =	vmul.f32 $2.500000000e-01, v4;
	[tilespmem:s16+$0x590] =	vst v7  }
0xf4: {  	[tilespmem:s16+$0x5A0] =	vst v5  }
0xf5: {  	[tilespmem:s16+$0x5B0] =	vst v3;
	s16 =	smov.u32 s17  }
0xf6: {  	v9 =	vld [tilespmem:s15+$0xFFFFEA40]  }
0xf7: {  	v7 =	vld [tilespmem:s15+$0xFFFFF560]  }
0xf8: {  	v3 =	vld [tilespmem:s15+$0xFFFFEA60]  }
0xf9: {  	v4 =	vld [tilespmem:s15+$0xFFFFEA20]  }
0xfa: {  	v8 =	vld [tilespmem:s15+$0xFFFFF520]  }
0xfb: {  	v6 =	vld [tilespmem:s15+$0xFFFFEA30]  }
0xfc: {  	v10 =	vld [tilespmem:s15+$0xFFFFEA70]  }
0xfd: {  	v11 =	vld [tilespmem:s15+$0xFFFFF530]  }
0xfe: {  	v12 =	vld [tilespmem:s15+$0xFFFFF570];
	v13 =	vadd.f32 v3, v4  }
0xff: {  	v14 =	vld [tilespmem:s15+$0xFFFFF540]  }
0x100: {  	v15 =	vld [tilespmem:s15+$0xFFFFF500]  }
0x101: {  	v16 =	vld [tilespmem:s15+$0xFFFFEA00]  }
0x102: {  	v3 =	vld [tilespmem:s15+$0xB00]  }
0x103: {  	v4 =	vld [tilespmem:s15+$0xB40]  }
0x104: {  	v17 =	vld [tilespmem:s15+$0x20]  }
0x105: {  	v5 =	vld [tilespmem:s15+$0xB60];
	v14 =	vadd.f32 v14, v15  }
0x106: {  	v11 =	vadd.f32 v12, v11;
	v15 =	vld [tilespmem:s15+$0x50]  }
0x107: {  	v12 =	vld [tilespmem:s15+$0x60]  }
0x108: {  	v6 =	vadd.f32 v10, v6;
	v19 =	vld [tilespmem:s15+$0x70]  }
0x109: {  	v10 =	vld [tilespmem:s15+$0x10]  }
0x10a: {  	v11 =	vadd.f32 v11, v6;
	v18 =	vld [tilespmem:s15+$0x0]  }
0x10b: {  	v20 =	vld [tilespmem:s15+$0xB10]  }
0x10c: {  	v21 =	vld [tilespmem:s15+$0xB50];
	v6 =	vadd.f32 v12, v17;
	v12 =	vadd.f32 v7, v8;
	v7 =	vmul.f32 $2.500000000e-01, v11  }
0x10d: {  	v9 =	vadd.f32 v9, v16;
	v8 =	vld [tilespmem:s15+$0xFFFFEA50]  }
0x10e: {  	v11 =	vld [tilespmem:s15+$0x40];
	v22 =	vadd.f32 v15, v10;
	v13 =	vadd.f32 v12, v13  }
0x10f: {  	v9 =	vadd.f32 v14, v9;
	v16 =	vld [tilespmem:s15+$0x30]  }
.Ltmp3:
0x110: {  	v12 =	vld [tilespmem:s15+$0xFFFFF550];
	(pc) =	sbr.rel @p0 .LBB2_7-.Ltmp3, $4  }
0x111: {  	v10 =	vld [tilespmem:s15+$0xB20];
	v20 =	vadd.f32 v21, v20  }
0x112: {  	v9 =	vmul.f32 $2.500000000e-01, v9;
	v14 =	vld [tilespmem:s15+$0xB30]  }
0x113: {  	v13 =	vmul.f32 $2.500000000e-01, v13;
	v17 =	vld [tilespmem:s15+$0xFFFFEA10];
	v15 =	vadd.f32 v11, v18  }
0x114: {  	v11 =	vadd.f32 v20, v22;
	v18 =	vld [tilespmem:s15+$0xFFFFF510];
	v16 =	vadd.f32 v19, v16  }
0x115: {  	_ =	sdelay $0x2  }
0x116: {  	v19 =	vld [tilespmem:s15+$0xB70]  }
0x117: {  	v8 =	vadd.f32 v8, v17;
	v12 =	vadd.f32 v12, v18  }
0x118: {  	v3 =	vadd.f32 v4, v3  }
0x119: {  	v4 =	vadd.f32 v12, v8  }
0x11a: {  	[tilespmem:s16+$0x30] =	vst v7;
	v5 =	vadd.f32 v5, v10;
	v3 =	vadd.f32 v3, v15  }
0x11b: {  	[tilespmem:s16+$0x20] =	vst v13;
	v7 =	vadd.f32 v19, v14;
	v4 =	vmul.f32 $2.500000000e-01, v4  }
0x11c: {  	[tilespmem:s16+$0x0] =	vst v9;
	v5 =	vadd.f32 v5, v6;
	v3 =	vmul.f32 $2.500000000e-01, v3  }
0x11d: {  	s14 =	sand.u32 $0x7C0, s14;
	v6 =	vadd.f32 v7, v16;
	v7 =	vmul.f32 $2.500000000e-01, v11;
	[tilespmem:s16+$0x10] =	vst v4  }
0x11e: {  	v4 =	vmul.f32 $2.500000000e-01, v5;
	[tilespmem:s14+$0x6180] =	vst v3  }
0x11f: {  	v3 =	vmul.f32 $2.500000000e-01, v6;
	[tilespmem:s16+$0x590] =	vst v7  }
0x120: {  	[tilespmem:s16+$0x5A0] =	vst v4  }
0x121: {  	s14 =	simm.s32 $0x0;
	[tilespmem:s16+$0x5B0] =	vst v3  }
0x122: {  	[hbm4b:s4+s14] =	stream.linear.scatter [tilespmem:s11], [sflag:$0x2], $0xB00, $0x38;
	[tilespmem:$0x6A00] =	vst v63  }
0x123: {  	_ =	swait.ge [sflag:s10], $0xB00  }
0x124: {  	[sflag:s10] =	ssyncset.done $0x0  }
0x125: {  	s15 =	simm.s32 $0x61F0;
	[sflag:s10] =	ssyncadd.s32 $0xFFFFF500  }
0x126: {  	v4 =	vld [tilespmem:s15+$0xFFFFFA80]  }
0x127: {  	v5 =	vld [tilespmem:s15+$0xFFFFFFC0]  }
0x128: {  	v6 =	vld [tilespmem:s15+$0x0]  }
0x129: {  	v3 =	vld [tilespmem:s15+$0xFFFFFA70]  }
0x12a: {  	s16 =	simm.s32 $0x100;
	v7 =	vld [tilespmem:s15+$0xFFFFFA40]  }
.LBB2_9:
0x12b: {  	p0 =	sne.s32 s16, $0xA00;
	v8 =	vld [tilespmem:s15+$0xFFFFFFB0]  }
0x12c: {  	v9 =	vld [tilespmem:s15+$0xFFFFFFF0]  }
0x12d: {  	v10 =	vld [tilespmem:s15+$0xFFFFFFE0]  }
0x12e: {  	v11 =	vld [tilespmem:s15+$0xFFFFFA10]  }
0x12f: {  	v5 =	vadd.f32 v6, v5;
	v12 =	vld [tilespmem:s15+$0xFFFFFF90];
	v4 =	vadd.f32 v4, v7  }
0x130: {  	v6 =	vld [tilespmem:s15+$0xFFFFFFD0]  }
0x131: {  	v7 =	vld [tilespmem:s15+$0xFFFFFA20];
	v4 =	vadd.f32 v5, v4  }
0x132: {  	v5 =	vld [tilespmem:s15+$0xFFFFFA60]  }
0x133: {  	v13 =	vld [tilespmem:s15+$0xFFFFFA50];
	v4 =	vmul.f32 $2.500000000e-01, v4  }
0x134: {  	s17 =	sshra.s32 s14, $0x2;
	s14 =	smov.u32 s16;
	v14 =	vld [tilespmem:s15+$0xFFFFFFA0]  }
0x135: {  	v15 =	vld [tilespmem:s15+$0xFFFFFA30];
	v6 =	vadd.f32 v6, v12;
	[tilespmem:s17+$0x6730] =	vst v4;
	_ =	sdelay $0x1  }
0x136: {  	v4 =	vadd.f32 v5, v7  }
0x137: {  	v5 =	vadd.f32 v13, v11  }
0x138: {  	v8 =	vadd.f32 v9, v8;
	v7 =	vadd.f32 v10, v14  }
0x139: {  	v3 =	vadd.f32 v3, v15;
	v5 =	vadd.f32 v6, v5  }
0x13a: {  	v4 =	vadd.f32 v7, v4  }
0x13b: {  	v3 =	vadd.f32 v8, v3;
	v5 =	vmul.f32 $2.500000000e-01, v5  }
0x13c: {  	v4 =	vmul.f32 $2.500000000e-01, v4  }
0x13d: {  	v3 =	vmul.f32 $2.500000000e-01, v3;
	[tilespmem:s17+$0x6700] =	vst v5  }
0x13e: {  	[tilespmem:s17+$0x6710] =	vst v4  }
0x13f: {  	s15 =	sadd.s32 $0x80, s15;
	[tilespmem:s17+$0x6720] =	vst v3  }
.Ltmp4:
0x140: {  	v4 =	vld [tilespmem:s15+$0xFFFFFA80];
	(pc) =	sbr.rel @p0 .LBB2_9-.Ltmp4, $4  }
0x141: {  	v5 =	vld [tilespmem:s15+$0xFFFFFFC0]  }
0x142: {  	v6 =	vld [tilespmem:s15+$0x0]  }
0x143: {  	v3 =	vld [tilespmem:s15+$0xFFFFFA70]  }
0x144: {  	s16 =	sadd.s32 $0x100, s16;
	v7 =	vld [tilespmem:s15+$0xFFFFFA40]  }
0x145: {  	v8 =	vld [tilespmem:s15+$0xFFFFFFB0]  }
0x146: {  	v10 =	vld [tilespmem:s15+$0xFFFFFFE0]  }
0x147: {  	v11 =	vld [tilespmem:s15+$0xFFFFFA10]  }
0x148: {  	v12 =	vld [tilespmem:s15+$0xFFFFFF90]  }
0x149: {  	v13 =	vld [tilespmem:s15+$0xFFFFFFD0]  }
0x14a: {  	v14 =	vld [tilespmem:s15+$0xFFFFFA20]  }
0x14b: {  	v15 =	vld [tilespmem:s15+$0xFFFFFA60]  }
0x14c: {  	v16 =	vld [tilespmem:s15+$0xFFFFFA50]  }
0x14d: {  	v17 =	vld [tilespmem:s15+$0xFFFFFFA0]  }
0x14e: {  	v9 =	vld [tilespmem:s15+$0xFFFFFFF0]  }
0x14f: {  	v59 =	vld [tilespmem:s15+$0xFFFFFA30]  }
0x150: {  	v5 =	vadd.f32 v6, v5;
	v4 =	vadd.f32 v4, v7  }
0x151: {  	v60 =	vadd.f32 v13, v12;
	v61 =	vadd.f32 v15, v14  }
0x152: {  	v11 =	vadd.f32 v16, v11;
	v10 =	vadd.f32 v10, v17  }
0x153: {  	v8 =	vadd.f32 v9, v8;
	v4 =	vadd.f32 v5, v4  }
0x154: {  	v3 =	vadd.f32 v3, v59;
	v5 =	vadd.f32 v60, v11  }
0x155: {  	v62 =	vadd.f32 v10, v61;
	v4 =	vmul.f32 $2.500000000e-01, v4  }
0x156: {  	s14 =	sshra.s32 s14, $0x2;
	v3 =	vadd.f32 v8, v3;
	v5 =	vmul.f32 $2.500000000e-01, v5  }
0x157: {  	v63 =	vmul.f32 $2.500000000e-01, v62;
	[tilespmem:s14+$0x6730] =	vst v4  }
0x158: {  	s13 =	sadd.s32 $0x1, s13;
	v3 =	vmul.f32 $2.500000000e-01, v3;
	[tilespmem:s14+$0x6700] =	vst v5  }
0x159: {  	p0 =	sne.s32 s13, s7;
	[tilespmem:s14+$0x6710] =	vst v63  }
.Ltmp5:
0x15a: {  	[tilespmem:s14+$0x6720] =	vst v3;
	(pc) =	sbr.rel @p0 .LBB2_2-.Ltmp5, $4  }
0x15b: {  	[hbm4b:s5+s2] =	stream.linear.scatter [tilespmem:s12], [sflag:$0x2], $0x2C0, $0x38;
	[tilespmem:$0x6A00] =	vst v63  }
0x15c: {  	_ =	swait.ge [sflag:s10], $0x2C0  }
0x15d: {  	[sflag:s10] =	ssyncset.done $0x0  }
0x15e: {  	[sflag:s10] =	ssyncadd.s32 $0xFFFFFD40  }
.LBB2_11:
0x15f: {  	_ =	sfence.sel $0x180000  }
0x160: {  	[bflag:$0x0] =	sbarrier.arrive $0xFFFF  }
0x161: {  	p0 =	sne.s32 s1, $0x0;
	_ =	strace $0x90000047  }
0x162: {  	s0 =	sadd.s32 @!p0 $0x100000, s0;
	[bflag:$0x2] =	sbarrier.arrive $0xFFFF  }
0x163: {  	[sflag:s0] =	ssyncadd.tile.s32 @!p0 $0x1;
	_ =	shalt  }
.Lfunc_end2:
_tile_overlayer_lowered:
.L_overlay_start_2:
0x164: {  	(tag) =	ssettag $0x2  }
0x165: {  	s0 =	rddreg [dreg:$0x0];
	s2 =	stileid.u32  }
0x166: {  	s1 =	rddreg [dreg:$0x1];
	p0 =	sne.s32 s2, $0x0  }
0x167: {  	s3 =	rddreg [dreg:$0x2];
	[bflag:$0x3] =	sbarrier.arrive $0xFFFF;
	s2 =	simm.s32 @!p0 $0x1C02  }
0x168: {  	[timem:s3], [sflag:s2] =	dma.local @!p0 [hbm:s0], s1  }
0x169: {  	s0 =	simm.s32 @!p0 $0x2  }
0x16a: {  	_ =	swait.ge @!p0 [sflag:s0], s1  }
0x16b: {  	s1 =	ssub.s32 @!p0 $0x0, s1;
	[sflag:s0] =	ssyncset.done @!p0 $0x0  }
0x16c: {  	[sflag:s0] =	ssyncadd.s32 @!p0 s1  }
0x16d: {  	[bflag:$0x3] =	sbarrier.arrive $0xFFFF  }
0x16e: {  	_ =	shalt  }

</sc_bundles>
